<compile_context>
chip_gen: v7x
topology: tpu7x:2x2x1
jax: 0.10.2.dev20260603
libtpu: 0.0.44.dev20260713+nightly
codegen_flags: <defaults>
</compile_context>

<pallas_src>
import functools

import jax
import jax.numpy as jnp
from jax import lax
from jax.experimental import pallas as pl
from jax.experimental.pallas import tpu as pltpu
from jax.experimental.pallas import tpu_sc as plsc

NC = 2
NS = 16
NW = NC * NS
CH = 2560

_MESH = dict(core_axis_name="c", subcore_axis_name="s")
_CP = pltpu.CompilerParams(use_tc_tiling_on_sc=False)


def _deg_call(dst_all, ones, zeros, npad, nchunk):
    rps = npad // NS
    mesh = plsc.VectorSubcoreMesh(num_cores=NC, **_MESH)

    @functools.partial(
        pl.kernel,
        mesh=mesh,
        compiler_params=_CP,
        out_type=jax.ShapeDtypeStruct((NC * npad, 16), jnp.float32),
        scratch_types=[
            pltpu.VMEM((nchunk, CH), jnp.int32),
            pltpu.VMEM((CH, 16), jnp.float32),
            pltpu.VMEM_SHARED((npad, 16), jnp.float32),
        ],
    )
    def degk(dst_hbm, ones_hbm, z_hbm, out_hbm, dst_v, ones_v, acc_sh):
        c = lax.axis_index("c")
        s = lax.axis_index("s")
        wid = s * NC + c
        pltpu.sync_copy(z_hbm.at[pl.ds(s * rps, rps)],
                        acc_sh.at[pl.ds(s * rps, rps)])
        pltpu.sync_copy(ones_hbm, ones_v)
        pltpu.sync_copy(dst_hbm.at[wid], dst_v)
        plsc.subcore_barrier()

        @pl.loop(0, nchunk)
        def _(j):
            pltpu.sync_copy(ones_v, acc_sh.at[dst_v.at[j]], add=True)

        plsc.subcore_barrier()
        pltpu.sync_copy(acc_sh.at[pl.ds(s * rps, rps)],
                        out_hbm.at[pl.ds(c * npad + s * rps, rps)])

    return degk(dst_all, ones, zeros)


def _prop_call(g, src_all, dst_all, zeros, npad, nchunk, d, dtype):
    rps = npad // NS
    mesh = plsc.VectorSubcoreMesh(num_cores=NC, **_MESH)

    @functools.partial(
        pl.kernel,
        mesh=mesh,
        compiler_params=_CP,
        out_type=jax.ShapeDtypeStruct((NC * npad, d), dtype),
        scratch_types=[
            pltpu.VMEM((nchunk, CH), jnp.int32),
            pltpu.VMEM((nchunk, CH), jnp.int32),
            pltpu.VMEM((CH, d), dtype),
            pltpu.VMEM((CH, d), dtype),
            pltpu.VMEM_SHARED((npad, d), dtype),
            pltpu.VMEM_SHARED((npad, d), dtype),
            pltpu.SemaphoreType.DMA,
            pltpu.SemaphoreType.DMA,
        ],
    )
    def prop(g_hbm, src_hbm, dst_hbm, z_hbm, out_hbm,
             src_v, dst_v, buf0_v, buf1_v, table_sh, acc_sh, sem0, sem1):
        c = lax.axis_index("c")
        s = lax.axis_index("s")
        wid = s * NC + c
        pltpu.sync_copy(g_hbm.at[pl.ds(s * rps, rps)],
                        table_sh.at[pl.ds(s * rps, rps)])
        pltpu.sync_copy(z_hbm.at[pl.ds(s * rps, rps)],
                        acc_sh.at[pl.ds(s * rps, rps)])
        pltpu.sync_copy(src_hbm.at[wid], src_v)
        pltpu.sync_copy(dst_hbm.at[wid], dst_v)
        plsc.subcore_barrier()

        @pl.loop(0, nchunk, step=2)
        def _(j):
            cp0 = pltpu.async_copy(table_sh.at[src_v.at[j]], buf0_v, sem0)
            cp1 = pltpu.async_copy(table_sh.at[src_v.at[j + 1]], buf1_v, sem1)
            cp0.wait()
            pltpu.sync_copy(buf0_v, acc_sh.at[dst_v.at[j]], add=True)
            cp1.wait()
            pltpu.sync_copy(buf1_v, acc_sh.at[dst_v.at[j + 1]], add=True)

        plsc.subcore_barrier()
        pltpu.sync_copy(acc_sh.at[pl.ds(s * rps, rps)],
                        out_hbm.at[pl.ds(c * npad + s * rps, rps)])

    return prop(g, src_all, dst_all, zeros)


def _tc_matmul1(x, w):
    def body(x_ref, w_ref, o_ref):
        o_ref[...] = lax.dot_general(
            x_ref[...], w_ref[...], (((1,), (0,)), ((), ())),
            precision=lax.Precision.HIGHEST,
            preferred_element_type=jnp.float32)

    return pl.pallas_call(
        body,
        out_shape=jax.ShapeDtypeStruct((x.shape[0], w.shape[1]), jnp.float32),
    )(x, w)


def _tc_scale1(degparts, h1, npad):
    n, dh = h1.shape

    def body(dp_ref, h_ref, g_ref, dinv_ref):
        deg = sum(dp_ref[i * npad:i * npad + n, 0:1] for i in range(NC)) + 1.0
        dinv = lax.rsqrt(deg)
        dinv_ref[...] = dinv
        g_ref[...] = h_ref[...] * dinv

    return pl.pallas_call(
        body,
        out_shape=[
            jax.ShapeDtypeStruct((n, dh), jnp.float32),
            jax.ShapeDtypeStruct((n, 1), jnp.float32),
        ],
    )(degparts, h1)


def _tc_layer2(s1, g1, dinv, b1, w2, npad):
    n, dh = g1.shape

    def body(s_ref, g_ref, di_ref, b_ref, w_ref, o_ref):
        ssum = sum(s_ref[i * npad:i * npad + n, 0:dh].astype(jnp.float32)
                   for i in range(NC))
        out1 = (ssum + g_ref[...]) * di_ref[...] + b_ref[...]
        h2 = lax.dot_general(
            jnp.maximum(out1, 0.0), w_ref[...], (((1,), (0,)), ((), ())),
            precision=lax.Precision.HIGHEST,
            preferred_element_type=jnp.float32)
        o_ref[...] = h2 * di_ref[...]

    return pl.pallas_call(
        body,
        out_shape=jax.ShapeDtypeStruct((n, w2.shape[1]), jnp.float32),
    )(s1, g1, dinv, b1, w2)


def _tc_final(s2, g2, dinv, b2, npad):
    n, do = g2.shape

    def body(s_ref, g_ref, di_ref, b_ref, o_ref):
        ssum = sum(s_ref[i * npad:i * npad + n, 0:do] for i in range(NC))
        o_ref[...] = (ssum + g_ref[...]) * di_ref[...] + b_ref[...]

    return pl.pallas_call(
        body,
        out_shape=jax.ShapeDtypeStruct((n, do), jnp.float32),
    )(s2, g2, dinv, b2)


def kernel(x, edge_index, W1, b1, W2, b2):
    n = x.shape[0]
    e = edge_index.shape[1]
    npad = ((n + 1 + 127) // 128) * 128
    junk = npad - n

    ew = -(-e // NW)
    ewp = -(-ew // (2 * CH)) * (2 * CH)
    pad = NW * ewp - e
    ar = jnp.arange(pad, dtype=jnp.int32)
    src_all = jnp.concatenate([edge_index[0], ar % n])
    dst_all = jnp.concatenate([edge_index[1], n + (ar % junk)])
    nchunk = ewp // CH
    src_all = src_all.reshape(NW, nchunk, CH)
    dst_all = dst_all.reshape(NW, nchunk, CH)

    ones = jnp.ones((CH, 16), jnp.float32)
    z16 = jnp.zeros((npad, 16), jnp.float32)

    degparts = _deg_call(dst_all, ones, z16, npad, nchunk)
    h1 = _tc_matmul1(x, W1)
    g1, dinv = _tc_scale1(degparts, h1, npad)
    g1p = jnp.pad(g1, ((0, npad - n), (0, 32 - g1.shape[1]))).astype(jnp.bfloat16)
    zb32 = jnp.zeros((npad, 32), jnp.bfloat16)
    s1 = _prop_call(g1p, src_all, dst_all, zb32, npad, nchunk, 32,
                    jnp.bfloat16)
    g2 = _tc_layer2(s1, g1, dinv, b1.reshape(1, -1), W2, npad)
    g2p = jnp.pad(g2, ((0, npad - n), (0, 16 - g2.shape[1])))
    s2 = _prop_call(g2p, src_all, dst_all, z16, npad, nchunk, 16,
                    jnp.float32)
    return _tc_final(s2, g2, dinv, b2.reshape(1, -1), npad)

# --- scband reference (transcript-rebuilt; emitter-appended) ---
"""Pipeline reference for scband-road-network-61495341744388 (READ-ONLY COPY).

The authoritative reference and input builder live on the scoring server;
editing this copy changes nothing except your own understanding.
"""

import jax, jax.numpy as jnp
import numpy as np

N_NODES = 10000
N_EDGES = 320000
D_IN = 128
D_HID = 20
D_OUT = 10


def setup_inputs(seed: int = 0) -> dict:
    key = jax.random.key(seed)
    k1, k2, k3, k4, k5, k6 = jax.random.split(key, 6)
    x = jax.random.normal(k1, (N_NODES, D_IN), dtype=jnp.float32)
    edge_index = jax.random.randint(k2, (2, N_EDGES), 0, N_NODES, dtype=jnp.int32)
    # GCNConv layer 1: in_channels=128 -> 2*out_channels=20
    W1 = jax.random.normal(k3, (D_IN, D_HID), dtype=jnp.float32) * (1.0 / np.sqrt(D_IN))
    b1 = jnp.zeros((D_HID,), dtype=jnp.float32)
    # GCNConv layer 2: 20 -> out_channels=10
    W2 = jax.random.normal(k4, (D_HID, D_OUT), dtype=jnp.float32) * (1.0 / np.sqrt(D_HID))
    b2 = jnp.zeros((D_OUT,), dtype=jnp.float32)
    return {"x": x, "edge_index": edge_index, "W1": W1, "b1": b1, "W2": W2, "b2": b2}


def _gcn_conv(x, edge_index, W, b):
    # Faithful GCNConv: add self-loops, symmetric D^-1/2 (A+I) D^-1/2 normalization,
    # linear transform then propagate (sum aggregation), then bias.
    n = x.shape[0]
    h = x @ W
    loop = jnp.arange(n, dtype=edge_index.dtype)
    src = jnp.concatenate([edge_index[0], loop])
    dst = jnp.concatenate([edge_index[1], loop])
    ones = jnp.ones(src.shape[0], dtype=h.dtype)
    deg = jax.ops.segment_sum(ones, dst, num_segments=n)
    dinv = jax.lax.rsqrt(jnp.maximum(deg, 1.0))
    norm = dinv[src] * dinv[dst]
    msg = h[src] * norm[:, None]
    out = jax.ops.segment_sum(msg, dst, num_segments=n)
    return out + b


def reference(x, edge_index, W1, b1, W2, b2):
    # GCNEncoder.forward: conv1 -> relu -> conv2
    h = jax.nn.relu(_gcn_conv(x, edge_index, W1, b1))
    z = _gcn_conv(h, edge_index, W2, b2)
    return z

if __name__ == "__main__":
    import jax
    _d = setup_inputs()
    print(jax.jit(kernel)(*tuple(_d.values())))

</pallas_src>

<mosaic_0001>
#map = affine_map<(d0, d1) -> (0, 0, 0)>
#map1 = affine_map<(d0, d1) -> (0, 0)>
module attributes {stable_mosaic.version = 14 : i64} {
  func.func @degk(%arg0: i32, %arg1: i32, %arg2: memref<32x4x2560xi32, #tpu.memory_space<hbm>>, %arg3: memref<2560x16xf32, #tpu.memory_space<hbm>>, %arg4: memref<10112x16xf32, #tpu.memory_space<hbm>>, %arg5: memref<20224x16xf32, #tpu.memory_space<hbm>>, %arg6: memref<4x2560xi32, #tpu.memory_space<vmem>>, %arg7: memref<2560x16xf32, #tpu.memory_space<vmem>>, %arg8: memref<10112x16xf32, #tpu.memory_space<vmem_shared>>) attributes {dimension_semantics = [#tpu.dimension_semantics<core_parallel>, #tpu.dimension_semantics<subcore_parallel>], iteration_bounds = array<i64: 2, 16>, scalar_prefetch = 0 : i64, scratch_operands = 3 : i64, tpu.core_type = #tpu.core_type<sc_vector_subcore>, window_params = [{transform_indices = #map}, {transform_indices = #map1}, {transform_indices = #map1}, {transform_indices = #map1}]} {
    %mul3A = arith.constant 2 : i32
    %mul3A_0 = arith.muli %arg1, %mul3A : i32
    %add3A = arith.addi %mul3A_0, %arg0 : i32
    %mul3A_1 = arith.constant 632 : i32
    %mul3A_2 = arith.muli %arg1, %mul3A_1 : i32
    %mul3A_3 = arith.constant 632 : i32
    %mul3A_4 = arith.muli %arg1, %mul3A_3 : i32
    "tpu.region"() ({
      %run_scoped3A = tpu.sem_alloc : memref<!tpu.dma_semaphore, #tpu.memory_space<semaphore_mem>>
      %dma_start3A = arith.constant 0 : i32
      %dma_start3A_17 = tpu.memref_slice %arg8[%mul3A_4, %dma_start3A] : memref<10112x16xf32, #tpu.memory_space<vmem_shared>> -> memref<632x16xf32, #tpu.memory_space<vmem_shared>>
      %dma_start3A_18 = arith.constant 0 : i32
      %dma_start3A_19 = tpu.memref_slice %arg4[%mul3A_2, %dma_start3A_18] : memref<10112x16xf32, #tpu.memory_space<hbm>> -> memref<632x16xf32, #tpu.memory_space<hbm>>
      tpu.enqueue_dma source(%dma_start3A_19 : memref<632x16xf32, #tpu.memory_space<hbm>>) target(%dma_start3A_17 : memref<632x16xf32, #tpu.memory_space<vmem_shared>>) target_semaphore(%run_scoped3A : memref<!tpu.dma_semaphore, #tpu.memory_space<semaphore_mem>>)
      %dma_wait3A = arith.constant 0 : i32
      %dma_wait3A_20 = tpu.memref_slice %arg8[%mul3A_4, %dma_wait3A] : memref<10112x16xf32, #tpu.memory_space<vmem_shared>> -> memref<632x16xf32, #tpu.memory_space<vmem_shared>>
      %dma_wait3A_21 = arith.constant 0 : i32
      %dma_wait3A_22 = tpu.memref_slice %arg4[%mul3A_2, %dma_wait3A_21] : memref<10112x16xf32, #tpu.memory_space<hbm>> -> memref<632x16xf32, #tpu.memory_space<hbm>>
      tpu.wait_dma2 semaphore(%run_scoped3A : memref<!tpu.dma_semaphore, #tpu.memory_space<semaphore_mem>>) src(%dma_wait3A_22 : memref<632x16xf32, #tpu.memory_space<hbm>>) dst(%dma_wait3A_20 : memref<632x16xf32, #tpu.memory_space<vmem_shared>>)
      tpu.yield
    }) : () -> ()
    "tpu.region"() ({
      %run_scoped3A = tpu.sem_alloc : memref<!tpu.dma_semaphore, #tpu.memory_space<semaphore_mem>>
      tpu.enqueue_dma source(%arg3 : memref<2560x16xf32, #tpu.memory_space<hbm>>) target(%arg7 : memref<2560x16xf32, #tpu.memory_space<vmem>>) target_semaphore(%run_scoped3A : memref<!tpu.dma_semaphore, #tpu.memory_space<semaphore_mem>>)
      tpu.wait_dma2 semaphore(%run_scoped3A : memref<!tpu.dma_semaphore, #tpu.memory_space<semaphore_mem>>) src(%arg3 : memref<2560x16xf32, #tpu.memory_space<hbm>>) dst(%arg7 : memref<2560x16xf32, #tpu.memory_space<vmem>>)
      tpu.yield
    }) : () -> ()
    "tpu.region"() ({
      %run_scoped3A = tpu.sem_alloc : memref<!tpu.dma_semaphore, #tpu.memory_space<semaphore_mem>>
      %dma_start3A = arith.constant 0 : i32
      %dma_start3A_17 = arith.constant 0 : i32
      %dma_start3A_18 = tpu.memref_slice %arg2[%add3A, %dma_start3A, %dma_start3A_17] : memref<32x4x2560xi32, #tpu.memory_space<hbm>> -> memref<1x4x2560xi32, #tpu.memory_space<hbm>>
      %dma_start3A_19 = tpu.memref_squeeze %dma_start3A_18 : memref<1x4x2560xi32, #tpu.memory_space<hbm>> -> memref<4x2560xi32, #tpu.memory_space<hbm>>
      %dma_start3A_20 = arith.constant 0 : i32
      %dma_start3A_21 = arith.constant 0 : i32
      %dma_start3A_22 = tpu.memref_slice %arg2[%add3A, %dma_start3A_20, %dma_start3A_21] : memref<32x4x2560xi32, #tpu.memory_space<hbm>> -> memref<1x4x2560xi32, #tpu.memory_space<hbm>>
      %dma_start3A_23 = tpu.memref_squeeze %dma_start3A_22 : memref<1x4x2560xi32, #tpu.memory_space<hbm>> -> memref<4x2560xi32, #tpu.memory_space<hbm>>
      tpu.enqueue_dma source(%dma_start3A_23 : memref<4x2560xi32, #tpu.memory_space<hbm>>) target(%arg6 : memref<4x2560xi32, #tpu.memory_space<vmem>>) target_semaphore(%run_scoped3A : memref<!tpu.dma_semaphore, #tpu.memory_space<semaphore_mem>>)
      %dma_wait3A = arith.constant 0 : i32
      %dma_wait3A_24 = arith.constant 0 : i32
      %dma_wait3A_25 = tpu.memref_slice %arg2[%add3A, %dma_wait3A, %dma_wait3A_24] : memref<32x4x2560xi32, #tpu.memory_space<hbm>> -> memref<1x4x2560xi32, #tpu.memory_space<hbm>>
      %dma_wait3A_26 = tpu.memref_squeeze %dma_wait3A_25 : memref<1x4x2560xi32, #tpu.memory_space<hbm>> -> memref<4x2560xi32, #tpu.memory_space<hbm>>
      %dma_wait3A_27 = arith.constant 0 : i32
      %dma_wait3A_28 = arith.constant 0 : i32
      %dma_wait3A_29 = tpu.memref_slice %arg2[%add3A, %dma_wait3A_27, %dma_wait3A_28] : memref<32x4x2560xi32, #tpu.memory_space<hbm>> -> memref<1x4x2560xi32, #tpu.memory_space<hbm>>
      %dma_wait3A_30 = tpu.memref_squeeze %dma_wait3A_29 : memref<1x4x2560xi32, #tpu.memory_space<hbm>> -> memref<4x2560xi32, #tpu.memory_space<hbm>>
      tpu.wait_dma2 semaphore(%run_scoped3A : memref<!tpu.dma_semaphore, #tpu.memory_space<semaphore_mem>>) src(%dma_wait3A_30 : memref<4x2560xi32, #tpu.memory_space<hbm>>) dst(%arg6 : memref<4x2560xi32, #tpu.memory_space<vmem>>)
      tpu.yield
    }) : () -> ()
    %barrier3A = arith.constant 0 : index
    tpu.barrier barrier_id(%barrier3A)
    %scan3A = arith.constant 0 : i32
    %scan3A_5 = arith.constant 4 : i32
    %scan3A_6 = arith.addi %scan3A, %scan3A_5 : i32
    %scan3A_7 = arith.constant 1 : i32
    scf.for %scan3A_17 = %scan3A to %scan3A_6 step %scan3A_7  : i32 {
      %mul3A_18 = arith.constant 1 : i32
      %mul3A_19 = arith.muli %scan3A_17, %mul3A_18 : i32
      %add3A_20 = arith.constant 0 : i32
      %add3A_21 = arith.addi %add3A_20, %mul3A_19 : i32
      "tpu.region"() ({
        %run_scoped3A = tpu.sem_alloc : memref<!tpu.dma_semaphore, #tpu.memory_space<semaphore_mem>>
        %dma_start3A = arith.constant 0 : i32
        %dma_start3A_22 = tpu.memref_slice %arg6[%add3A_21, %dma_start3A] : memref<4x2560xi32, #tpu.memory_space<vmem>> -> memref<1x2560xi32, #tpu.memory_space<vmem>>
        %dma_start3A_23 = tpu.memref_squeeze %dma_start3A_22 : memref<1x2560xi32, #tpu.memory_space<vmem>> -> memref<2560xi32, #tpu.memory_space<vmem>>
        %dma_start3A_24 = arith.constant 0 : i32
        %dma_start3A_25 = arith.constant 0 : i32
        %dma_start3A_26 = tpu.memref_slice %arg8[%dma_start3A_24, %dma_start3A_25] : memref<10112x16xf32, #tpu.memory_space<vmem_shared>> -> memref<10112x16xf32, #tpu.memory_space<vmem_shared>>
        tpu.enqueue_indirect_dma source(%arg7 : memref<2560x16xf32, #tpu.memory_space<vmem>>) target(%dma_start3A_26 : memref<10112x16xf32, #tpu.memory_space<vmem_shared>>) offsets(%dma_start3A_23 : memref<2560xi32, #tpu.memory_space<vmem>>) semaphore(%run_scoped3A : memref<!tpu.dma_semaphore, #tpu.memory_space<semaphore_mem>>) {add = true}
        %dma_wait3A = arith.constant 0 : i32
        %dma_wait3A_27 = tpu.memref_slice %arg6[%add3A_21, %dma_wait3A] : memref<4x2560xi32, #tpu.memory_space<vmem>> -> memref<1x2560xi32, #tpu.memory_space<vmem>>
        %dma_wait3A_28 = tpu.memref_squeeze %dma_wait3A_27 : memref<1x2560xi32, #tpu.memory_space<vmem>> -> memref<2560xi32, #tpu.memory_space<vmem>>
        %dma_wait3A_29 = arith.constant 0 : i32
        %dma_wait3A_30 = arith.constant 0 : i32
        %dma_wait3A_31 = tpu.memref_slice %arg8[%dma_wait3A_29, %dma_wait3A_30] : memref<10112x16xf32, #tpu.memory_space<vmem_shared>> -> memref<10112x16xf32, #tpu.memory_space<vmem_shared>>
        tpu.wait_indirect_dma semaphore(%run_scoped3A : memref<!tpu.dma_semaphore, #tpu.memory_space<semaphore_mem>>) src(%arg7 : memref<2560x16xf32, #tpu.memory_space<vmem>>) dst(%dma_wait3A_31 : memref<10112x16xf32, #tpu.memory_space<vmem_shared>>)
        tpu.yield
      }) : () -> ()
    }
    %scan3A_8 = arith.constant 4 : i32
    %barrier3A_9 = arith.constant 0 : index
    tpu.barrier barrier_id(%barrier3A_9)
    %mul3A_10 = arith.constant 632 : i32
    %mul3A_11 = arith.muli %arg1, %mul3A_10 : i32
    %mul3A_12 = arith.constant 10112 : i32
    %mul3A_13 = arith.muli %arg0, %mul3A_12 : i32
    %mul3A_14 = arith.constant 632 : i32
    %mul3A_15 = arith.muli %arg1, %mul3A_14 : i32
    %add3A_16 = arith.addi %mul3A_13, %mul3A_15 : i32
    "tpu.region"() ({
      %run_scoped3A = tpu.sem_alloc : memref<!tpu.dma_semaphore, #tpu.memory_space<semaphore_mem>>
      %dma_start3A = arith.constant 0 : i32
      %dma_start3A_17 = tpu.memref_slice %arg5[%add3A_16, %dma_start3A] : memref<20224x16xf32, #tpu.memory_space<hbm>> -> memref<632x16xf32, #tpu.memory_space<hbm>>
      %dma_start3A_18 = arith.constant 0 : i32
      %dma_start3A_19 = tpu.memref_slice %arg8[%mul3A_11, %dma_start3A_18] : memref<10112x16xf32, #tpu.memory_space<vmem_shared>> -> memref<632x16xf32, #tpu.memory_space<vmem_shared>>
      tpu.enqueue_dma source(%dma_start3A_19 : memref<632x16xf32, #tpu.memory_space<vmem_shared>>) target(%dma_start3A_17 : memref<632x16xf32, #tpu.memory_space<hbm>>) target_semaphore(%run_scoped3A : memref<!tpu.dma_semaphore, #tpu.memory_space<semaphore_mem>>)
      %dma_wait3A = arith.constant 0 : i32
      %dma_wait3A_20 = tpu.memref_slice %arg5[%add3A_16, %dma_wait3A] : memref<20224x16xf32, #tpu.memory_space<hbm>> -> memref<632x16xf32, #tpu.memory_space<hbm>>
      %dma_wait3A_21 = arith.constant 0 : i32
      %dma_wait3A_22 = tpu.memref_slice %arg8[%mul3A_11, %dma_wait3A_21] : memref<10112x16xf32, #tpu.memory_space<vmem_shared>> -> memref<632x16xf32, #tpu.memory_space<vmem_shared>>
      tpu.wait_dma2 semaphore(%run_scoped3A : memref<!tpu.dma_semaphore, #tpu.memory_space<semaphore_mem>>) src(%dma_wait3A_22 : memref<632x16xf32, #tpu.memory_space<vmem_shared>>) dst(%dma_wait3A_20 : memref<632x16xf32, #tpu.memory_space<hbm>>)
      tpu.yield
    }) : () -> ()
    return
  }
}

#map = affine_map<(d0, d1) -> (0, 0)>
#map1 = affine_map<(d0, d1) -> (0, 0, 0)>
module attributes {stable_mosaic.version = 14 : i64} {
  func.func @prop(%arg0: i32, %arg1: i32, %arg2: memref<10112x32xbf16, #tpu.memory_space<hbm>>, %arg3: memref<32x4x2560xi32, #tpu.memory_space<hbm>>, %arg4: memref<32x4x2560xi32, #tpu.memory_space<hbm>>, %arg5: memref<10112x32xbf16, #tpu.memory_space<hbm>>, %arg6: memref<20224x32xbf16, #tpu.memory_space<hbm>>, %arg7: memref<4x2560xi32, #tpu.memory_space<vmem>>, %arg8: memref<4x2560xi32, #tpu.memory_space<vmem>>, %arg9: memref<2560x32xbf16, #tpu.memory_space<vmem>>, %arg10: memref<2560x32xbf16, #tpu.memory_space<vmem>>, %arg11: memref<10112x32xbf16, #tpu.memory_space<vmem_shared>>, %arg12: memref<10112x32xbf16, #tpu.memory_space<vmem_shared>>, %arg13: memref<!tpu.dma_semaphore, #tpu.memory_space<semaphore_mem>>, %arg14: memref<!tpu.dma_semaphore, #tpu.memory_space<semaphore_mem>>) attributes {dimension_semantics = [#tpu.dimension_semantics<core_parallel>, #tpu.dimension_semantics<subcore_parallel>], iteration_bounds = array<i64: 2, 16>, scalar_prefetch = 0 : i64, scratch_operands = 8 : i64, tpu.core_type = #tpu.core_type<sc_vector_subcore>, window_params = [{transform_indices = #map}, {transform_indices = #map1}, {transform_indices = #map1}, {transform_indices = #map}, {transform_indices = #map}]} {
    %mul3A = arith.constant 2 : i32
    %mul3A_0 = arith.muli %arg1, %mul3A : i32
    %add3A = arith.addi %mul3A_0, %arg0 : i32
    %mul3A_1 = arith.constant 632 : i32
    %mul3A_2 = arith.muli %arg1, %mul3A_1 : i32
    %mul3A_3 = arith.constant 632 : i32
    %mul3A_4 = arith.muli %arg1, %mul3A_3 : i32
    "tpu.region"() ({
      %run_scoped3A = tpu.sem_alloc : memref<!tpu.dma_semaphore, #tpu.memory_space<semaphore_mem>>
      %dma_start3A = arith.constant 0 : i32
      %dma_start3A_21 = tpu.memref_slice %arg11[%mul3A_4, %dma_start3A] : memref<10112x32xbf16, #tpu.memory_space<vmem_shared>> -> memref<632x32xbf16, #tpu.memory_space<vmem_shared>>
      %dma_start3A_22 = arith.constant 0 : i32
      %dma_start3A_23 = tpu.memref_slice %arg2[%mul3A_2, %dma_start3A_22] : memref<10112x32xbf16, #tpu.memory_space<hbm>> -> memref<632x32xbf16, #tpu.memory_space<hbm>>
      tpu.enqueue_dma source(%dma_start3A_23 : memref<632x32xbf16, #tpu.memory_space<hbm>>) target(%dma_start3A_21 : memref<632x32xbf16, #tpu.memory_space<vmem_shared>>) target_semaphore(%run_scoped3A : memref<!tpu.dma_semaphore, #tpu.memory_space<semaphore_mem>>)
      %dma_wait3A = arith.constant 0 : i32
      %dma_wait3A_24 = tpu.memref_slice %arg11[%mul3A_4, %dma_wait3A] : memref<10112x32xbf16, #tpu.memory_space<vmem_shared>> -> memref<632x32xbf16, #tpu.memory_space<vmem_shared>>
      %dma_wait3A_25 = arith.constant 0 : i32
      %dma_wait3A_26 = tpu.memref_slice %arg2[%mul3A_2, %dma_wait3A_25] : memref<10112x32xbf16, #tpu.memory_space<hbm>> -> memref<632x32xbf16, #tpu.memory_space<hbm>>
      tpu.wait_dma2 semaphore(%run_scoped3A : memref<!tpu.dma_semaphore, #tpu.memory_space<semaphore_mem>>) src(%dma_wait3A_26 : memref<632x32xbf16, #tpu.memory_space<hbm>>) dst(%dma_wait3A_24 : memref<632x32xbf16, #tpu.memory_space<vmem_shared>>)
      tpu.yield
    }) : () -> ()
    %mul3A_5 = arith.constant 632 : i32
    %mul3A_6 = arith.muli %arg1, %mul3A_5 : i32
    %mul3A_7 = arith.constant 632 : i32
    %mul3A_8 = arith.muli %arg1, %mul3A_7 : i32
    "tpu.region"() ({
      %run_scoped3A = tpu.sem_alloc : memref<!tpu.dma_semaphore, #tpu.memory_space<semaphore_mem>>
      %dma_start3A = arith.constant 0 : i32
      %dma_start3A_21 = tpu.memref_slice %arg12[%mul3A_8, %dma_start3A] : memref<10112x32xbf16, #tpu.memory_space<vmem_shared>> -> memref<632x32xbf16, #tpu.memory_space<vmem_shared>>
      %dma_start3A_22 = arith.constant 0 : i32
      %dma_start3A_23 = tpu.memref_slice %arg5[%mul3A_6, %dma_start3A_22] : memref<10112x32xbf16, #tpu.memory_space<hbm>> -> memref<632x32xbf16, #tpu.memory_space<hbm>>
      tpu.enqueue_dma source(%dma_start3A_23 : memref<632x32xbf16, #tpu.memory_space<hbm>>) target(%dma_start3A_21 : memref<632x32xbf16, #tpu.memory_space<vmem_shared>>) target_semaphore(%run_scoped3A : memref<!tpu.dma_semaphore, #tpu.memory_space<semaphore_mem>>)
      %dma_wait3A = arith.constant 0 : i32
      %dma_wait3A_24 = tpu.memref_slice %arg12[%mul3A_8, %dma_wait3A] : memref<10112x32xbf16, #tpu.memory_space<vmem_shared>> -> memref<632x32xbf16, #tpu.memory_space<vmem_shared>>
      %dma_wait3A_25 = arith.constant 0 : i32
      %dma_wait3A_26 = tpu.memref_slice %arg5[%mul3A_6, %dma_wait3A_25] : memref<10112x32xbf16, #tpu.memory_space<hbm>> -> memref<632x32xbf16, #tpu.memory_space<hbm>>
      tpu.wait_dma2 semaphore(%run_scoped3A : memref<!tpu.dma_semaphore, #tpu.memory_space<semaphore_mem>>) src(%dma_wait3A_26 : memref<632x32xbf16, #tpu.memory_space<hbm>>) dst(%dma_wait3A_24 : memref<632x32xbf16, #tpu.memory_space<vmem_shared>>)
      tpu.yield
    }) : () -> ()
    "tpu.region"() ({
      %run_scoped3A = tpu.sem_alloc : memref<!tpu.dma_semaphore, #tpu.memory_space<semaphore_mem>>
      %dma_start3A = arith.constant 0 : i32
      %dma_start3A_21 = arith.constant 0 : i32
      %dma_start3A_22 = tpu.memref_slice %arg3[%add3A, %dma_start3A, %dma_start3A_21] : memref<32x4x2560xi32, #tpu.memory_space<hbm>> -> memref<1x4x2560xi32, #tpu.memory_space<hbm>>
      %dma_start3A_23 = tpu.memref_squeeze %dma_start3A_22 : memref<1x4x2560xi32, #tpu.memory_space<hbm>> -> memref<4x2560xi32, #tpu.memory_space<hbm>>
      %dma_start3A_24 = arith.constant 0 : i32
      %dma_start3A_25 = arith.constant 0 : i32
      %dma_start3A_26 = tpu.memref_slice %arg3[%add3A, %dma_start3A_24, %dma_start3A_25] : memref<32x4x2560xi32, #tpu.memory_space<hbm>> -> memref<1x4x2560xi32, #tpu.memory_space<hbm>>
      %dma_start3A_27 = tpu.memref_squeeze %dma_start3A_26 : memref<1x4x2560xi32, #tpu.memory_space<hbm>> -> memref<4x2560xi32, #tpu.memory_space<hbm>>
      tpu.enqueue_dma source(%dma_start3A_27 : memref<4x2560xi32, #tpu.memory_space<hbm>>) target(%arg7 : memref<4x2560xi32, #tpu.memory_space<vmem>>) target_semaphore(%run_scoped3A : memref<!tpu.dma_semaphore, #tpu.memory_space<semaphore_mem>>)
      %dma_wait3A = arith.constant 0 : i32
      %dma_wait3A_28 = arith.constant 0 : i32
      %dma_wait3A_29 = tpu.memref_slice %arg3[%add3A, %dma_wait3A, %dma_wait3A_28] : memref<32x4x2560xi32, #tpu.memory_space<hbm>> -> memref<1x4x2560xi32, #tpu.memory_space<hbm>>
      %dma_wait3A_30 = tpu.memref_squeeze %dma_wait3A_29 : memref<1x4x2560xi32, #tpu.memory_space<hbm>> -> memref<4x2560xi32, #tpu.memory_space<hbm>>
      %dma_wait3A_31 = arith.constant 0 : i32
      %dma_wait3A_32 = arith.constant 0 : i32
      %dma_wait3A_33 = tpu.memref_slice %arg3[%add3A, %dma_wait3A_31, %dma_wait3A_32] : memref<32x4x2560xi32, #tpu.memory_space<hbm>> -> memref<1x4x2560xi32, #tpu.memory_space<hbm>>
      %dma_wait3A_34 = tpu.memref_squeeze %dma_wait3A_33 : memref<1x4x2560xi32, #tpu.memory_space<hbm>> -> memref<4x2560xi32, #tpu.memory_space<hbm>>
      tpu.wait_dma2 semaphore(%run_scoped3A : memref<!tpu.dma_semaphore, #tpu.memory_space<semaphore_mem>>) src(%dma_wait3A_34 : memref<4x2560xi32, #tpu.memory_space<hbm>>) dst(%arg7 : memref<4x2560xi32, #tpu.memory_space<vmem>>)
      tpu.yield
    }) : () -> ()
    "tpu.region"() ({
      %run_scoped3A = tpu.sem_alloc : memref<!tpu.dma_semaphore, #tpu.memory_space<semaphore_mem>>
      %dma_start3A = arith.constant 0 : i32
      %dma_start3A_21 = arith.constant 0 : i32
      %dma_start3A_22 = tpu.memref_slice %arg4[%add3A, %dma_start3A, %dma_start3A_21] : memref<32x4x2560xi32, #tpu.memory_space<hbm>> -> memref<1x4x2560xi32, #tpu.memory_space<hbm>>
      %dma_start3A_23 = tpu.memref_squeeze %dma_start3A_22 : memref<1x4x2560xi32, #tpu.memory_space<hbm>> -> memref<4x2560xi32, #tpu.memory_space<hbm>>
      %dma_start3A_24 = arith.constant 0 : i32
      %dma_start3A_25 = arith.constant 0 : i32
      %dma_start3A_26 = tpu.memref_slice %arg4[%add3A, %dma_start3A_24, %dma_start3A_25] : memref<32x4x2560xi32, #tpu.memory_space<hbm>> -> memref<1x4x2560xi32, #tpu.memory_space<hbm>>
      %dma_start3A_27 = tpu.memref_squeeze %dma_start3A_26 : memref<1x4x2560xi32, #tpu.memory_space<hbm>> -> memref<4x2560xi32, #tpu.memory_space<hbm>>
      tpu.enqueue_dma source(%dma_start3A_27 : memref<4x2560xi32, #tpu.memory_space<hbm>>) target(%arg8 : memref<4x2560xi32, #tpu.memory_space<vmem>>) target_semaphore(%run_scoped3A : memref<!tpu.dma_semaphore, #tpu.memory_space<semaphore_mem>>)
      %dma_wait3A = arith.constant 0 : i32
      %dma_wait3A_28 = arith.constant 0 : i32
      %dma_wait3A_29 = tpu.memref_slice %arg4[%add3A, %dma_wait3A, %dma_wait3A_28] : memref<32x4x2560xi32, #tpu.memory_space<hbm>> -> memref<1x4x2560xi32, #tpu.memory_space<hbm>>
      %dma_wait3A_30 = tpu.memref_squeeze %dma_wait3A_29 : memref<1x4x2560xi32, #tpu.memory_space<hbm>> -> memref<4x2560xi32, #tpu.memory_space<hbm>>
      %dma_wait3A_31 = arith.constant 0 : i32
      %dma_wait3A_32 = arith.constant 0 : i32
      %dma_wait3A_33 = tpu.memref_slice %arg4[%add3A, %dma_wait3A_31, %dma_wait3A_32] : memref<32x4x2560xi32, #tpu.memory_space<hbm>> -> memref<1x4x2560xi32, #tpu.memory_space<hbm>>
      %dma_wait3A_34 = tpu.memref_squeeze %dma_wait3A_33 : memref<1x4x2560xi32, #tpu.memory_space<hbm>> -> memref<4x2560xi32, #tpu.memory_space<hbm>>
      tpu.wait_dma2 semaphore(%run_scoped3A : memref<!tpu.dma_semaphore, #tpu.memory_space<semaphore_mem>>) src(%dma_wait3A_34 : memref<4x2560xi32, #tpu.memory_space<hbm>>) dst(%arg8 : memref<4x2560xi32, #tpu.memory_space<vmem>>)
      tpu.yield
    }) : () -> ()
    %barrier3A = arith.constant 0 : index
    tpu.barrier barrier_id(%barrier3A)
    %scan3A = arith.constant 0 : i32
    %scan3A_9 = arith.constant 2 : i32
    %scan3A_10 = arith.addi %scan3A, %scan3A_9 : i32
    %scan3A_11 = arith.constant 1 : i32
    scf.for %scan3A_21 = %scan3A to %scan3A_10 step %scan3A_11  : i32 {
      %mul3A_22 = arith.constant 2 : i32
      %mul3A_23 = arith.muli %scan3A_21, %mul3A_22 : i32
      %add3A_24 = arith.constant 0 : i32
      %add3A_25 = arith.addi %add3A_24, %mul3A_23 : i32
      %dma_start3A = arith.constant 0 : i32
      %dma_start3A_26 = tpu.memref_slice %arg7[%add3A_25, %dma_start3A] : memref<4x2560xi32, #tpu.memory_space<vmem>> -> memref<1x2560xi32, #tpu.memory_space<vmem>>
      %dma_start3A_27 = tpu.memref_squeeze %dma_start3A_26 : memref<1x2560xi32, #tpu.memory_space<vmem>> -> memref<2560xi32, #tpu.memory_space<vmem>>
      %dma_start3A_28 = arith.constant 0 : i32
      %dma_start3A_29 = arith.constant 0 : i32
      %dma_start3A_30 = tpu.memref_slice %arg11[%dma_start3A_28, %dma_start3A_29] : memref<10112x32xbf16, #tpu.memory_space<vmem_shared>> -> memref<10112x32xbf16, #tpu.memory_space<vmem_shared>>
      tpu.enqueue_indirect_dma source(%dma_start3A_30 : memref<10112x32xbf16, #tpu.memory_space<vmem_shared>>) target(%arg9 : memref<2560x32xbf16, #tpu.memory_space<vmem>>) offsets(%dma_start3A_27 : memref<2560xi32, #tpu.memory_space<vmem>>) semaphore(%arg13 : memref<!tpu.dma_semaphore, #tpu.memory_space<semaphore_mem>>)
      %add3A_31 = arith.constant 1 : i32
      %add3A_32 = arith.addi %add3A_25, %add3A_31 : i32
      %dma_start3A_33 = arith.constant 0 : i32
      %dma_start3A_34 = tpu.memref_slice %arg7[%add3A_32, %dma_start3A_33] : memref<4x2560xi32, #tpu.memory_space<vmem>> -> memref<1x2560xi32, #tpu.memory_space<vmem>>
      %dma_start3A_35 = tpu.memref_squeeze %dma_start3A_34 : memref<1x2560xi32, #tpu.memory_space<vmem>> -> memref<2560xi32, #tpu.memory_space<vmem>>
      %dma_start3A_36 = arith.constant 0 : i32
      %dma_start3A_37 = arith.constant 0 : i32
      %dma_start3A_38 = tpu.memref_slice %arg11[%dma_start3A_36, %dma_start3A_37] : memref<10112x32xbf16, #tpu.memory_space<vmem_shared>> -> memref<10112x32xbf16, #tpu.memory_space<vmem_shared>>
      tpu.enqueue_indirect_dma source(%dma_start3A_38 : memref<10112x32xbf16, #tpu.memory_space<vmem_shared>>) target(%arg10 : memref<2560x32xbf16, #tpu.memory_space<vmem>>) offsets(%dma_start3A_35 : memref<2560xi32, #tpu.memory_space<vmem>>) semaphore(%arg14 : memref<!tpu.dma_semaphore, #tpu.memory_space<semaphore_mem>>)
      %dma_wait3A = arith.constant 0 : i32
      %dma_wait3A_39 = tpu.memref_slice %arg7[%add3A_25, %dma_wait3A] : memref<4x2560xi32, #tpu.memory_space<vmem>> -> memref<1x2560xi32, #tpu.memory_space<vmem>>
      %dma_wait3A_40 = tpu.memref_squeeze %dma_wait3A_39 : memref<1x2560xi32, #tpu.memory_space<vmem>> -> memref<2560xi32, #tpu.memory_space<vmem>>
      %dma_wait3A_41 = arith.constant 0 : i32
      %dma_wait3A_42 = arith.constant 0 : i32
      %dma_wait3A_43 = tpu.memref_slice %arg11[%dma_wait3A_41, %dma_wait3A_42] : memref<10112x32xbf16, #tpu.memory_space<vmem_shared>> -> memref<10112x32xbf16, #tpu.memory_space<vmem_shared>>
      tpu.wait_indirect_dma semaphore(%arg13 : memref<!tpu.dma_semaphore, #tpu.memory_space<semaphore_mem>>) src(%dma_wait3A_43 : memref<10112x32xbf16, #tpu.memory_space<vmem_shared>>) dst(%arg9 : memref<2560x32xbf16, #tpu.memory_space<vmem>>)
      "tpu.region"() ({
        %run_scoped3A = tpu.sem_alloc : memref<!tpu.dma_semaphore, #tpu.memory_space<semaphore_mem>>
        %dma_start3A_52 = arith.constant 0 : i32
        %dma_start3A_53 = tpu.memref_slice %arg8[%add3A_25, %dma_start3A_52] : memref<4x2560xi32, #tpu.memory_space<vmem>> -> memref<1x2560xi32, #tpu.memory_space<vmem>>
        %dma_start3A_54 = tpu.memref_squeeze %dma_start3A_53 : memref<1x2560xi32, #tpu.memory_space<vmem>> -> memref<2560xi32, #tpu.memory_space<vmem>>
        %dma_start3A_55 = arith.constant 0 : i32
        %dma_start3A_56 = arith.constant 0 : i32
        %dma_start3A_57 = tpu.memref_slice %arg12[%dma_start3A_55, %dma_start3A_56] : memref<10112x32xbf16, #tpu.memory_space<vmem_shared>> -> memref<10112x32xbf16, #tpu.memory_space<vmem_shared>>
        tpu.enqueue_indirect_dma source(%arg9 : memref<2560x32xbf16, #tpu.memory_space<vmem>>) target(%dma_start3A_57 : memref<10112x32xbf16, #tpu.memory_space<vmem_shared>>) offsets(%dma_start3A_54 : memref<2560xi32, #tpu.memory_space<vmem>>) semaphore(%run_scoped3A : memref<!tpu.dma_semaphore, #tpu.memory_space<semaphore_mem>>) {add = true}
        %dma_wait3A_58 = arith.constant 0 : i32
        %dma_wait3A_59 = tpu.memref_slice %arg8[%add3A_25, %dma_wait3A_58] : memref<4x2560xi32, #tpu.memory_space<vmem>> -> memref<1x2560xi32, #tpu.memory_space<vmem>>
        %dma_wait3A_60 = tpu.memref_squeeze %dma_wait3A_59 : memref<1x2560xi32, #tpu.memory_space<vmem>> -> memref<2560xi32, #tpu.memory_space<vmem>>
        %dma_wait3A_61 = arith.constant 0 : i32
        %dma_wait3A_62 = arith.constant 0 : i32
        %dma_wait3A_63 = tpu.memref_slice %arg12[%dma_wait3A_61, %dma_wait3A_62] : memref<10112x32xbf16, #tpu.memory_space<vmem_shared>> -> memref<10112x32xbf16, #tpu.memory_space<vmem_shared>>
        tpu.wait_indirect_dma semaphore(%run_scoped3A : memref<!tpu.dma_semaphore, #tpu.memory_space<semaphore_mem>>) src(%arg9 : memref<2560x32xbf16, #tpu.memory_space<vmem>>) dst(%dma_wait3A_63 : memref<10112x32xbf16, #tpu.memory_space<vmem_shared>>)
        tpu.yield
      }) : () -> ()
      %dma_wait3A_44 = arith.constant 0 : i32
      %dma_wait3A_45 = tpu.memref_slice %arg7[%add3A_32, %dma_wait3A_44] : memref<4x2560xi32, #tpu.memory_space<vmem>> -> memref<1x2560xi32, #tpu.memory_space<vmem>>
      %dma_wait3A_46 = tpu.memref_squeeze %dma_wait3A_45 : memref<1x2560xi32, #tpu.memory_space<vmem>> -> memref<2560xi32, #tpu.memory_space<vmem>>
      %dma_wait3A_47 = arith.constant 0 : i32
      %dma_wait3A_48 = arith.constant 0 : i32
      %dma_wait3A_49 = tpu.memref_slice %arg11[%dma_wait3A_47, %dma_wait3A_48] : memref<10112x32xbf16, #tpu.memory_space<vmem_shared>> -> memref<10112x32xbf16, #tpu.memory_space<vmem_shared>>
      tpu.wait_indirect_dma semaphore(%arg14 : memref<!tpu.dma_semaphore, #tpu.memory_space<semaphore_mem>>) src(%dma_wait3A_49 : memref<10112x32xbf16, #tpu.memory_space<vmem_shared>>) dst(%arg10 : memref<2560x32xbf16, #tpu.memory_space<vmem>>)
      %add3A_50 = arith.constant 1 : i32
      %add3A_51 = arith.addi %add3A_25, %add3A_50 : i32
      "tpu.region"() ({
        %run_scoped3A = tpu.sem_alloc : memref<!tpu.dma_semaphore, #tpu.memory_space<semaphore_mem>>
        %dma_start3A_52 = arith.constant 0 : i32
        %dma_start3A_53 = tpu.memref_slice %arg8[%add3A_51, %dma_start3A_52] : memref<4x2560xi32, #tpu.memory_space<vmem>> -> memref<1x2560xi32, #tpu.memory_space<vmem>>
        %dma_start3A_54 = tpu.memref_squeeze %dma_start3A_53 : memref<1x2560xi32, #tpu.memory_space<vmem>> -> memref<2560xi32, #tpu.memory_space<vmem>>
        %dma_start3A_55 = arith.constant 0 : i32
        %dma_start3A_56 = arith.constant 0 : i32
        %dma_start3A_57 = tpu.memref_slice %arg12[%dma_start3A_55, %dma_start3A_56] : memref<10112x32xbf16, #tpu.memory_space<vmem_shared>> -> memref<10112x32xbf16, #tpu.memory_space<vmem_shared>>
        tpu.enqueue_indirect_dma source(%arg10 : memref<2560x32xbf16, #tpu.memory_space<vmem>>) target(%dma_start3A_57 : memref<10112x32xbf16, #tpu.memory_space<vmem_shared>>) offsets(%dma_start3A_54 : memref<2560xi32, #tpu.memory_space<vmem>>) semaphore(%run_scoped3A : memref<!tpu.dma_semaphore, #tpu.memory_space<semaphore_mem>>) {add = true}
        %dma_wait3A_58 = arith.constant 0 : i32
        %dma_wait3A_59 = tpu.memref_slice %arg8[%add3A_51, %dma_wait3A_58] : memref<4x2560xi32, #tpu.memory_space<vmem>> -> memref<1x2560xi32, #tpu.memory_space<vmem>>
        %dma_wait3A_60 = tpu.memref_squeeze %dma_wait3A_59 : memref<1x2560xi32, #tpu.memory_space<vmem>> -> memref<2560xi32, #tpu.memory_space<vmem>>
        %dma_wait3A_61 = arith.constant 0 : i32
        %dma_wait3A_62 = arith.constant 0 : i32
        %dma_wait3A_63 = tpu.memref_slice %arg12[%dma_wait3A_61, %dma_wait3A_62] : memref<10112x32xbf16, #tpu.memory_space<vmem_shared>> -> memref<10112x32xbf16, #tpu.memory_space<vmem_shared>>
        tpu.wait_indirect_dma semaphore(%run_scoped3A : memref<!tpu.dma_semaphore, #tpu.memory_space<semaphore_mem>>) src(%arg10 : memref<2560x32xbf16, #tpu.memory_space<vmem>>) dst(%dma_wait3A_63 : memref<10112x32xbf16, #tpu.memory_space<vmem_shared>>)
        tpu.yield
      }) : () -> ()
    }
    %scan3A_12 = arith.constant 2 : i32
    %barrier3A_13 = arith.constant 0 : index
    tpu.barrier barrier_id(%barrier3A_13)
    %mul3A_14 = arith.constant 632 : i32
    %mul3A_15 = arith.muli %arg1, %mul3A_14 : i32
    %mul3A_16 = arith.constant 10112 : i32
    %mul3A_17 = arith.muli %arg0, %mul3A_16 : i32
    %mul3A_18 = arith.constant 632 : i32
    %mul3A_19 = arith.muli %arg1, %mul3A_18 : i32
    %add3A_20 = arith.addi %mul3A_17, %mul3A_19 : i32
    "tpu.region"() ({
      %run_scoped3A = tpu.sem_alloc : memref<!tpu.dma_semaphore, #tpu.memory_space<semaphore_mem>>
      %dma_start3A = arith.constant 0 : i32
      %dma_start3A_21 = tpu.memref_slice %arg6[%add3A_20, %dma_start3A] : memref<20224x32xbf16, #tpu.memory_space<hbm>> -> memref<632x32xbf16, #tpu.memory_space<hbm>>
      %dma_start3A_22 = arith.constant 0 : i32
      %dma_start3A_23 = tpu.memref_slice %arg12[%mul3A_15, %dma_start3A_22] : memref<10112x32xbf16, #tpu.memory_space<vmem_shared>> -> memref<632x32xbf16, #tpu.memory_space<vmem_shared>>
      tpu.enqueue_dma source(%dma_start3A_23 : memref<632x32xbf16, #tpu.memory_space<vmem_shared>>) target(%dma_start3A_21 : memref<632x32xbf16, #tpu.memory_space<hbm>>) target_semaphore(%run_scoped3A : memref<!tpu.dma_semaphore, #tpu.memory_space<semaphore_mem>>)
      %dma_wait3A = arith.constant 0 : i32
      %dma_wait3A_24 = tpu.memref_slice %arg6[%add3A_20, %dma_wait3A] : memref<20224x32xbf16, #tpu.memory_space<hbm>> -> memref<632x32xbf16, #tpu.memory_space<hbm>>
      %dma_wait3A_25 = arith.constant 0 : i32
      %dma_wait3A_26 = tpu.memref_slice %arg12[%mul3A_15, %dma_wait3A_25] : memref<10112x32xbf16, #tpu.memory_space<vmem_shared>> -> memref<632x32xbf16, #tpu.memory_space<vmem_shared>>
      tpu.wait_dma2 semaphore(%run_scoped3A : memref<!tpu.dma_semaphore, #tpu.memory_space<semaphore_mem>>) src(%dma_wait3A_26 : memref<632x32xbf16, #tpu.memory_space<vmem_shared>>) dst(%dma_wait3A_24 : memref<632x32xbf16, #tpu.memory_space<hbm>>)
      tpu.yield
    }) : () -> ()
    return
  }
}

#map = affine_map<(d0, d1) -> (0, 0)>
#map1 = affine_map<(d0, d1) -> (0, 0, 0)>
module attributes {stable_mosaic.version = 14 : i64} {
  func.func @prop(%arg0: i32, %arg1: i32, %arg2: memref<10112x16xf32, #tpu.memory_space<hbm>>, %arg3: memref<32x4x2560xi32, #tpu.memory_space<hbm>>, %arg4: memref<32x4x2560xi32, #tpu.memory_space<hbm>>, %arg5: memref<10112x16xf32, #tpu.memory_space<hbm>>, %arg6: memref<20224x16xf32, #tpu.memory_space<hbm>>, %arg7: memref<4x2560xi32, #tpu.memory_space<vmem>>, %arg8: memref<4x2560xi32, #tpu.memory_space<vmem>>, %arg9: memref<2560x16xf32, #tpu.memory_space<vmem>>, %arg10: memref<2560x16xf32, #tpu.memory_space<vmem>>, %arg11: memref<10112x16xf32, #tpu.memory_space<vmem_shared>>, %arg12: memref<10112x16xf32, #tpu.memory_space<vmem_shared>>, %arg13: memref<!tpu.dma_semaphore, #tpu.memory_space<semaphore_mem>>, %arg14: memref<!tpu.dma_semaphore, #tpu.memory_space<semaphore_mem>>) attributes {dimension_semantics = [#tpu.dimension_semantics<core_parallel>, #tpu.dimension_semantics<subcore_parallel>], iteration_bounds = array<i64: 2, 16>, scalar_prefetch = 0 : i64, scratch_operands = 8 : i64, tpu.core_type = #tpu.core_type<sc_vector_subcore>, window_params = [{transform_indices = #map}, {transform_indices = #map1}, {transform_indices = #map1}, {transform_indices = #map}, {transform_indices = #map}]} {
    %mul3A = arith.constant 2 : i32
    %mul3A_0 = arith.muli %arg1, %mul3A : i32
    %add3A = arith.addi %mul3A_0, %arg0 : i32
    %mul3A_1 = arith.constant 632 : i32
    %mul3A_2 = arith.muli %arg1, %mul3A_1 : i32
    %mul3A_3 = arith.constant 632 : i32
    %mul3A_4 = arith.muli %arg1, %mul3A_3 : i32
    "tpu.region"() ({
      %run_scoped3A = tpu.sem_alloc : memref<!tpu.dma_semaphore, #tpu.memory_space<semaphore_mem>>
      %dma_start3A = arith.constant 0 : i32
      %dma_start3A_21 = tpu.memref_slice %arg11[%mul3A_4, %dma_start3A] : memref<10112x16xf32, #tpu.memory_space<vmem_shared>> -> memref<632x16xf32, #tpu.memory_space<vmem_shared>>
      %dma_start3A_22 = arith.constant 0 : i32
      %dma_start3A_23 = tpu.memref_slice %arg2[%mul3A_2, %dma_start3A_22] : memref<10112x16xf32, #tpu.memory_space<hbm>> -> memref<632x16xf32, #tpu.memory_space<hbm>>
      tpu.enqueue_dma source(%dma_start3A_23 : memref<632x16xf32, #tpu.memory_space<hbm>>) target(%dma_start3A_21 : memref<632x16xf32, #tpu.memory_space<vmem_shared>>) target_semaphore(%run_scoped3A : memref<!tpu.dma_semaphore, #tpu.memory_space<semaphore_mem>>)
      %dma_wait3A = arith.constant 0 : i32
      %dma_wait3A_24 = tpu.memref_slice %arg11[%mul3A_4, %dma_wait3A] : memref<10112x16xf32, #tpu.memory_space<vmem_shared>> -> memref<632x16xf32, #tpu.memory_space<vmem_shared>>
      %dma_wait3A_25 = arith.constant 0 : i32
      %dma_wait3A_26 = tpu.memref_slice %arg2[%mul3A_2, %dma_wait3A_25] : memref<10112x16xf32, #tpu.memory_space<hbm>> -> memref<632x16xf32, #tpu.memory_space<hbm>>
      tpu.wait_dma2 semaphore(%run_scoped3A : memref<!tpu.dma_semaphore, #tpu.memory_space<semaphore_mem>>) src(%dma_wait3A_26 : memref<632x16xf32, #tpu.memory_space<hbm>>) dst(%dma_wait3A_24 : memref<632x16xf32, #tpu.memory_space<vmem_shared>>)
      tpu.yield
    }) : () -> ()
    %mul3A_5 = arith.constant 632 : i32
    %mul3A_6 = arith.muli %arg1, %mul3A_5 : i32
    %mul3A_7 = arith.constant 632 : i32
    %mul3A_8 = arith.muli %arg1, %mul3A_7 : i32
    "tpu.region"() ({
      %run_scoped3A = tpu.sem_alloc : memref<!tpu.dma_semaphore, #tpu.memory_space<semaphore_mem>>
      %dma_start3A = arith.constant 0 : i32
      %dma_start3A_21 = tpu.memref_slice %arg12[%mul3A_8, %dma_start3A] : memref<10112x16xf32, #tpu.memory_space<vmem_shared>> -> memref<632x16xf32, #tpu.memory_space<vmem_shared>>
      %dma_start3A_22 = arith.constant 0 : i32
      %dma_start3A_23 = tpu.memref_slice %arg5[%mul3A_6, %dma_start3A_22] : memref<10112x16xf32, #tpu.memory_space<hbm>> -> memref<632x16xf32, #tpu.memory_space<hbm>>
      tpu.enqueue_dma source(%dma_start3A_23 : memref<632x16xf32, #tpu.memory_space<hbm>>) target(%dma_start3A_21 : memref<632x16xf32, #tpu.memory_space<vmem_shared>>) target_semaphore(%run_scoped3A : memref<!tpu.dma_semaphore, #tpu.memory_space<semaphore_mem>>)
      %dma_wait3A = arith.constant 0 : i32
      %dma_wait3A_24 = tpu.memref_slice %arg12[%mul3A_8, %dma_wait3A] : memref<10112x16xf32, #tpu.memory_space<vmem_shared>> -> memref<632x16xf32, #tpu.memory_space<vmem_shared>>
      %dma_wait3A_25 = arith.constant 0 : i32
      %dma_wait3A_26 = tpu.memref_slice %arg5[%mul3A_6, %dma_wait3A_25] : memref<10112x16xf32, #tpu.memory_space<hbm>> -> memref<632x16xf32, #tpu.memory_space<hbm>>
      tpu.wait_dma2 semaphore(%run_scoped3A : memref<!tpu.dma_semaphore, #tpu.memory_space<semaphore_mem>>) src(%dma_wait3A_26 : memref<632x16xf32, #tpu.memory_space<hbm>>) dst(%dma_wait3A_24 : memref<632x16xf32, #tpu.memory_space<vmem_shared>>)
      tpu.yield
    }) : () -> ()
    "tpu.region"() ({
      %run_scoped3A = tpu.sem_alloc : memref<!tpu.dma_semaphore, #tpu.memory_space<semaphore_mem>>
      %dma_start3A = arith.constant 0 : i32
      %dma_start3A_21 = arith.constant 0 : i32
      %dma_start3A_22 = tpu.memref_slice %arg3[%add3A, %dma_start3A, %dma_start3A_21] : memref<32x4x2560xi32, #tpu.memory_space<hbm>> -> memref<1x4x2560xi32, #tpu.memory_space<hbm>>
      %dma_start3A_23 = tpu.memref_squeeze %dma_start3A_22 : memref<1x4x2560xi32, #tpu.memory_space<hbm>> -> memref<4x2560xi32, #tpu.memory_space<hbm>>
      %dma_start3A_24 = arith.constant 0 : i32
      %dma_start3A_25 = arith.constant 0 : i32
      %dma_start3A_26 = tpu.memref_slice %arg3[%add3A, %dma_start3A_24, %dma_start3A_25] : memref<32x4x2560xi32, #tpu.memory_space<hbm>> -> memref<1x4x2560xi32, #tpu.memory_space<hbm>>
      %dma_start3A_27 = tpu.memref_squeeze %dma_start3A_26 : memref<1x4x2560xi32, #tpu.memory_space<hbm>> -> memref<4x2560xi32, #tpu.memory_space<hbm>>
      tpu.enqueue_dma source(%dma_start3A_27 : memref<4x2560xi32, #tpu.memory_space<hbm>>) target(%arg7 : memref<4x2560xi32, #tpu.memory_space<vmem>>) target_semaphore(%run_scoped3A : memref<!tpu.dma_semaphore, #tpu.memory_space<semaphore_mem>>)
      %dma_wait3A = arith.constant 0 : i32
      %dma_wait3A_28 = arith.constant 0 : i32
      %dma_wait3A_29 = tpu.memref_slice %arg3[%add3A, %dma_wait3A, %dma_wait3A_28] : memref<32x4x2560xi32, #tpu.memory_space<hbm>> -> memref<1x4x2560xi32, #tpu.memory_space<hbm>>
      %dma_wait3A_30 = tpu.memref_squeeze %dma_wait3A_29 : memref<1x4x2560xi32, #tpu.memory_space<hbm>> -> memref<4x2560xi32, #tpu.memory_space<hbm>>
      %dma_wait3A_31 = arith.constant 0 : i32
      %dma_wait3A_32 = arith.constant 0 : i32
      %dma_wait3A_33 = tpu.memref_slice %arg3[%add3A, %dma_wait3A_31, %dma_wait3A_32] : memref<32x4x2560xi32, #tpu.memory_space<hbm>> -> memref<1x4x2560xi32, #tpu.memory_space<hbm>>
      %dma_wait3A_34 = tpu.memref_squeeze %dma_wait3A_33 : memref<1x4x2560xi32, #tpu.memory_space<hbm>> -> memref<4x2560xi32, #tpu.memory_space<hbm>>
      tpu.wait_dma2 semaphore(%run_scoped3A : memref<!tpu.dma_semaphore, #tpu.memory_space<semaphore_mem>>) src(%dma_wait3A_34 : memref<4x2560xi32, #tpu.memory_space<hbm>>) dst(%arg7 : memref<4x2560xi32, #tpu.memory_space<vmem>>)
      tpu.yield
    }) : () -> ()
    "tpu.region"() ({
      %run_scoped3A = tpu.sem_alloc : memref<!tpu.dma_semaphore, #tpu.memory_space<semaphore_mem>>
      %dma_start3A = arith.constant 0 : i32
      %dma_start3A_21 = arith.constant 0 : i32
      %dma_start3A_22 = tpu.memref_slice %arg4[%add3A, %dma_start3A, %dma_start3A_21] : memref<32x4x2560xi32, #tpu.memory_space<hbm>> -> memref<1x4x2560xi32, #tpu.memory_space<hbm>>
      %dma_start3A_23 = tpu.memref_squeeze %dma_start3A_22 : memref<1x4x2560xi32, #tpu.memory_space<hbm>> -> memref<4x2560xi32, #tpu.memory_space<hbm>>
      %dma_start3A_24 = arith.constant 0 : i32
      %dma_start3A_25 = arith.constant 0 : i32
      %dma_start3A_26 = tpu.memref_slice %arg4[%add3A, %dma_start3A_24, %dma_start3A_25] : memref<32x4x2560xi32, #tpu.memory_space<hbm>> -> memref<1x4x2560xi32, #tpu.memory_space<hbm>>
      %dma_start3A_27 = tpu.memref_squeeze %dma_start3A_26 : memref<1x4x2560xi32, #tpu.memory_space<hbm>> -> memref<4x2560xi32, #tpu.memory_space<hbm>>
      tpu.enqueue_dma source(%dma_start3A_27 : memref<4x2560xi32, #tpu.memory_space<hbm>>) target(%arg8 : memref<4x2560xi32, #tpu.memory_space<vmem>>) target_semaphore(%run_scoped3A : memref<!tpu.dma_semaphore, #tpu.memory_space<semaphore_mem>>)
      %dma_wait3A = arith.constant 0 : i32
      %dma_wait3A_28 = arith.constant 0 : i32
      %dma_wait3A_29 = tpu.memref_slice %arg4[%add3A, %dma_wait3A, %dma_wait3A_28] : memref<32x4x2560xi32, #tpu.memory_space<hbm>> -> memref<1x4x2560xi32, #tpu.memory_space<hbm>>
      %dma_wait3A_30 = tpu.memref_squeeze %dma_wait3A_29 : memref<1x4x2560xi32, #tpu.memory_space<hbm>> -> memref<4x2560xi32, #tpu.memory_space<hbm>>
      %dma_wait3A_31 = arith.constant 0 : i32
      %dma_wait3A_32 = arith.constant 0 : i32
      %dma_wait3A_33 = tpu.memref_slice %arg4[%add3A, %dma_wait3A_31, %dma_wait3A_32] : memref<32x4x2560xi32, #tpu.memory_space<hbm>> -> memref<1x4x2560xi32, #tpu.memory_space<hbm>>
      %dma_wait3A_34 = tpu.memref_squeeze %dma_wait3A_33 : memref<1x4x2560xi32, #tpu.memory_space<hbm>> -> memref<4x2560xi32, #tpu.memory_space<hbm>>
      tpu.wait_dma2 semaphore(%run_scoped3A : memref<!tpu.dma_semaphore, #tpu.memory_space<semaphore_mem>>) src(%dma_wait3A_34 : memref<4x2560xi32, #tpu.memory_space<hbm>>) dst(%arg8 : memref<4x2560xi32, #tpu.memory_space<vmem>>)
      tpu.yield
    }) : () -> ()
    %barrier3A = arith.constant 0 : index
    tpu.barrier barrier_id(%barrier3A)
    %scan3A = arith.constant 0 : i32
    %scan3A_9 = arith.constant 2 : i32
    %scan3A_10 = arith.addi %scan3A, %scan3A_9 : i32
    %scan3A_11 = arith.constant 1 : i32
    scf.for %scan3A_21 = %scan3A to %scan3A_10 step %scan3A_11  : i32 {
      %mul3A_22 = arith.constant 2 : i32
      %mul3A_23 = arith.muli %scan3A_21, %mul3A_22 : i32
      %add3A_24 = arith.constant 0 : i32
      %add3A_25 = arith.addi %add3A_24, %mul3A_23 : i32
      %dma_start3A = arith.constant 0 : i32
      %dma_start3A_26 = tpu.memref_slice %arg7[%add3A_25, %dma_start3A] : memref<4x2560xi32, #tpu.memory_space<vmem>> -> memref<1x2560xi32, #tpu.memory_space<vmem>>
      %dma_start3A_27 = tpu.memref_squeeze %dma_start3A_26 : memref<1x2560xi32, #tpu.memory_space<vmem>> -> memref<2560xi32, #tpu.memory_space<vmem>>
      %dma_start3A_28 = arith.constant 0 : i32
      %dma_start3A_29 = arith.constant 0 : i32
      %dma_start3A_30 = tpu.memref_slice %arg11[%dma_start3A_28, %dma_start3A_29] : memref<10112x16xf32, #tpu.memory_space<vmem_shared>> -> memref<10112x16xf32, #tpu.memory_space<vmem_shared>>
      tpu.enqueue_indirect_dma source(%dma_start3A_30 : memref<10112x16xf32, #tpu.memory_space<vmem_shared>>) target(%arg9 : memref<2560x16xf32, #tpu.memory_space<vmem>>) offsets(%dma_start3A_27 : memref<2560xi32, #tpu.memory_space<vmem>>) semaphore(%arg13 : memref<!tpu.dma_semaphore, #tpu.memory_space<semaphore_mem>>)
      %add3A_31 = arith.constant 1 : i32
      %add3A_32 = arith.addi %add3A_25, %add3A_31 : i32
      %dma_start3A_33 = arith.constant 0 : i32
      %dma_start3A_34 = tpu.memref_slice %arg7[%add3A_32, %dma_start3A_33] : memref<4x2560xi32, #tpu.memory_space<vmem>> -> memref<1x2560xi32, #tpu.memory_space<vmem>>
      %dma_start3A_35 = tpu.memref_squeeze %dma_start3A_34 : memref<1x2560xi32, #tpu.memory_space<vmem>> -> memref<2560xi32, #tpu.memory_space<vmem>>
      %dma_start3A_36 = arith.constant 0 : i32
      %dma_start3A_37 = arith.constant 0 : i32
      %dma_start3A_38 = tpu.memref_slice %arg11[%dma_start3A_36, %dma_start3A_37] : memref<10112x16xf32, #tpu.memory_space<vmem_shared>> -> memref<10112x16xf32, #tpu.memory_space<vmem_shared>>
      tpu.enqueue_indirect_dma source(%dma_start3A_38 : memref<10112x16xf32, #tpu.memory_space<vmem_shared>>) target(%arg10 : memref<2560x16xf32, #tpu.memory_space<vmem>>) offsets(%dma_start3A_35 : memref<2560xi32, #tpu.memory_space<vmem>>) semaphore(%arg14 : memref<!tpu.dma_semaphore, #tpu.memory_space<semaphore_mem>>)
      %dma_wait3A = arith.constant 0 : i32
      %dma_wait3A_39 = tpu.memref_slice %arg7[%add3A_25, %dma_wait3A] : memref<4x2560xi32, #tpu.memory_space<vmem>> -> memref<1x2560xi32, #tpu.memory_space<vmem>>
      %dma_wait3A_40 = tpu.memref_squeeze %dma_wait3A_39 : memref<1x2560xi32, #tpu.memory_space<vmem>> -> memref<2560xi32, #tpu.memory_space<vmem>>
      %dma_wait3A_41 = arith.constant 0 : i32
      %dma_wait3A_42 = arith.constant 0 : i32
      %dma_wait3A_43 = tpu.memref_slice %arg11[%dma_wait3A_41, %dma_wait3A_42] : memref<10112x16xf32, #tpu.memory_space<vmem_shared>> -> memref<10112x16xf32, #tpu.memory_space<vmem_shared>>
      tpu.wait_indirect_dma semaphore(%arg13 : memref<!tpu.dma_semaphore, #tpu.memory_space<semaphore_mem>>) src(%dma_wait3A_43 : memref<10112x16xf32, #tpu.memory_space<vmem_shared>>) dst(%arg9 : memref<2560x16xf32, #tpu.memory_space<vmem>>)
      "tpu.region"() ({
        %run_scoped3A = tpu.sem_alloc : memref<!tpu.dma_semaphore, #tpu.memory_space<semaphore_mem>>
        %dma_start3A_52 = arith.constant 0 : i32
        %dma_start3A_53 = tpu.memref_slice %arg8[%add3A_25, %dma_start3A_52] : memref<4x2560xi32, #tpu.memory_space<vmem>> -> memref<1x2560xi32, #tpu.memory_space<vmem>>
        %dma_start3A_54 = tpu.memref_squeeze %dma_start3A_53 : memref<1x2560xi32, #tpu.memory_space<vmem>> -> memref<2560xi32, #tpu.memory_space<vmem>>
        %dma_start3A_55 = arith.constant 0 : i32
        %dma_start3A_56 = arith.constant 0 : i32
        %dma_start3A_57 = tpu.memref_slice %arg12[%dma_start3A_55, %dma_start3A_56] : memref<10112x16xf32, #tpu.memory_space<vmem_shared>> -> memref<10112x16xf32, #tpu.memory_space<vmem_shared>>
        tpu.enqueue_indirect_dma source(%arg9 : memref<2560x16xf32, #tpu.memory_space<vmem>>) target(%dma_start3A_57 : memref<10112x16xf32, #tpu.memory_space<vmem_shared>>) offsets(%dma_start3A_54 : memref<2560xi32, #tpu.memory_space<vmem>>) semaphore(%run_scoped3A : memref<!tpu.dma_semaphore, #tpu.memory_space<semaphore_mem>>) {add = true}
        %dma_wait3A_58 = arith.constant 0 : i32
        %dma_wait3A_59 = tpu.memref_slice %arg8[%add3A_25, %dma_wait3A_58] : memref<4x2560xi32, #tpu.memory_space<vmem>> -> memref<1x2560xi32, #tpu.memory_space<vmem>>
        %dma_wait3A_60 = tpu.memref_squeeze %dma_wait3A_59 : memref<1x2560xi32, #tpu.memory_space<vmem>> -> memref<2560xi32, #tpu.memory_space<vmem>>
        %dma_wait3A_61 = arith.constant 0 : i32
        %dma_wait3A_62 = arith.constant 0 : i32
        %dma_wait3A_63 = tpu.memref_slice %arg12[%dma_wait3A_61, %dma_wait3A_62] : memref<10112x16xf32, #tpu.memory_space<vmem_shared>> -> memref<10112x16xf32, #tpu.memory_space<vmem_shared>>
        tpu.wait_indirect_dma semaphore(%run_scoped3A : memref<!tpu.dma_semaphore, #tpu.memory_space<semaphore_mem>>) src(%arg9 : memref<2560x16xf32, #tpu.memory_space<vmem>>) dst(%dma_wait3A_63 : memref<10112x16xf32, #tpu.memory_space<vmem_shared>>)
        tpu.yield
      }) : () -> ()
      %dma_wait3A_44 = arith.constant 0 : i32
      %dma_wait3A_45 = tpu.memref_slice %arg7[%add3A_32, %dma_wait3A_44] : memref<4x2560xi32, #tpu.memory_space<vmem>> -> memref<1x2560xi32, #tpu.memory_space<vmem>>
      %dma_wait3A_46 = tpu.memref_squeeze %dma_wait3A_45 : memref<1x2560xi32, #tpu.memory_space<vmem>> -> memref<2560xi32, #tpu.memory_space<vmem>>
      %dma_wait3A_47 = arith.constant 0 : i32
      %dma_wait3A_48 = arith.constant 0 : i32
      %dma_wait3A_49 = tpu.memref_slice %arg11[%dma_wait3A_47, %dma_wait3A_48] : memref<10112x16xf32, #tpu.memory_space<vmem_shared>> -> memref<10112x16xf32, #tpu.memory_space<vmem_shared>>
      tpu.wait_indirect_dma semaphore(%arg14 : memref<!tpu.dma_semaphore, #tpu.memory_space<semaphore_mem>>) src(%dma_wait3A_49 : memref<10112x16xf32, #tpu.memory_space<vmem_shared>>) dst(%arg10 : memref<2560x16xf32, #tpu.memory_space<vmem>>)
      %add3A_50 = arith.constant 1 : i32
      %add3A_51 = arith.addi %add3A_25, %add3A_50 : i32
      "tpu.region"() ({
        %run_scoped3A = tpu.sem_alloc : memref<!tpu.dma_semaphore, #tpu.memory_space<semaphore_mem>>
        %dma_start3A_52 = arith.constant 0 : i32
        %dma_start3A_53 = tpu.memref_slice %arg8[%add3A_51, %dma_start3A_52] : memref<4x2560xi32, #tpu.memory_space<vmem>> -> memref<1x2560xi32, #tpu.memory_space<vmem>>
        %dma_start3A_54 = tpu.memref_squeeze %dma_start3A_53 : memref<1x2560xi32, #tpu.memory_space<vmem>> -> memref<2560xi32, #tpu.memory_space<vmem>>
        %dma_start3A_55 = arith.constant 0 : i32
        %dma_start3A_56 = arith.constant 0 : i32
        %dma_start3A_57 = tpu.memref_slice %arg12[%dma_start3A_55, %dma_start3A_56] : memref<10112x16xf32, #tpu.memory_space<vmem_shared>> -> memref<10112x16xf32, #tpu.memory_space<vmem_shared>>
        tpu.enqueue_indirect_dma source(%arg10 : memref<2560x16xf32, #tpu.memory_space<vmem>>) target(%dma_start3A_57 : memref<10112x16xf32, #tpu.memory_space<vmem_shared>>) offsets(%dma_start3A_54 : memref<2560xi32, #tpu.memory_space<vmem>>) semaphore(%run_scoped3A : memref<!tpu.dma_semaphore, #tpu.memory_space<semaphore_mem>>) {add = true}
        %dma_wait3A_58 = arith.constant 0 : i32
        %dma_wait3A_59 = tpu.memref_slice %arg8[%add3A_51, %dma_wait3A_58] : memref<4x2560xi32, #tpu.memory_space<vmem>> -> memref<1x2560xi32, #tpu.memory_space<vmem>>
        %dma_wait3A_60 = tpu.memref_squeeze %dma_wait3A_59 : memref<1x2560xi32, #tpu.memory_space<vmem>> -> memref<2560xi32, #tpu.memory_space<vmem>>
        %dma_wait3A_61 = arith.constant 0 : i32
        %dma_wait3A_62 = arith.constant 0 : i32
        %dma_wait3A_63 = tpu.memref_slice %arg12[%dma_wait3A_61, %dma_wait3A_62] : memref<10112x16xf32, #tpu.memory_space<vmem_shared>> -> memref<10112x16xf32, #tpu.memory_space<vmem_shared>>
        tpu.wait_indirect_dma semaphore(%run_scoped3A : memref<!tpu.dma_semaphore, #tpu.memory_space<semaphore_mem>>) src(%arg10 : memref<2560x16xf32, #tpu.memory_space<vmem>>) dst(%dma_wait3A_63 : memref<10112x16xf32, #tpu.memory_space<vmem_shared>>)
        tpu.yield
      }) : () -> ()
    }
    %scan3A_12 = arith.constant 2 : i32
    %barrier3A_13 = arith.constant 0 : index
    tpu.barrier barrier_id(%barrier3A_13)
    %mul3A_14 = arith.constant 632 : i32
    %mul3A_15 = arith.muli %arg1, %mul3A_14 : i32
    %mul3A_16 = arith.constant 10112 : i32
    %mul3A_17 = arith.muli %arg0, %mul3A_16 : i32
    %mul3A_18 = arith.constant 632 : i32
    %mul3A_19 = arith.muli %arg1, %mul3A_18 : i32
    %add3A_20 = arith.addi %mul3A_17, %mul3A_19 : i32
    "tpu.region"() ({
      %run_scoped3A = tpu.sem_alloc : memref<!tpu.dma_semaphore, #tpu.memory_space<semaphore_mem>>
      %dma_start3A = arith.constant 0 : i32
      %dma_start3A_21 = tpu.memref_slice %arg6[%add3A_20, %dma_start3A] : memref<20224x16xf32, #tpu.memory_space<hbm>> -> memref<632x16xf32, #tpu.memory_space<hbm>>
      %dma_start3A_22 = arith.constant 0 : i32
      %dma_start3A_23 = tpu.memref_slice %arg12[%mul3A_15, %dma_start3A_22] : memref<10112x16xf32, #tpu.memory_space<vmem_shared>> -> memref<632x16xf32, #tpu.memory_space<vmem_shared>>
      tpu.enqueue_dma source(%dma_start3A_23 : memref<632x16xf32, #tpu.memory_space<vmem_shared>>) target(%dma_start3A_21 : memref<632x16xf32, #tpu.memory_space<hbm>>) target_semaphore(%run_scoped3A : memref<!tpu.dma_semaphore, #tpu.memory_space<semaphore_mem>>)
      %dma_wait3A = arith.constant 0 : i32
      %dma_wait3A_24 = tpu.memref_slice %arg6[%add3A_20, %dma_wait3A] : memref<20224x16xf32, #tpu.memory_space<hbm>> -> memref<632x16xf32, #tpu.memory_space<hbm>>
      %dma_wait3A_25 = arith.constant 0 : i32
      %dma_wait3A_26 = tpu.memref_slice %arg12[%mul3A_15, %dma_wait3A_25] : memref<10112x16xf32, #tpu.memory_space<vmem_shared>> -> memref<632x16xf32, #tpu.memory_space<vmem_shared>>
      tpu.wait_dma2 semaphore(%run_scoped3A : memref<!tpu.dma_semaphore, #tpu.memory_space<semaphore_mem>>) src(%dma_wait3A_26 : memref<632x16xf32, #tpu.memory_space<vmem_shared>>) dst(%dma_wait3A_24 : memref<632x16xf32, #tpu.memory_space<hbm>>)
      tpu.yield
    }) : () -> ()
    return
  }
}

module attributes {stable_mosaic.version = 14 : i64} {
  func.func @body(%arg0: memref<10000x128xf32, #tpu.memory_space<vmem>>, %arg1: memref<128x20xf32, #tpu.memory_space<vmem>>, %arg2: memref<10000x20xf32, #tpu.memory_space<vmem>>) attributes {dimension_semantics = [], scalar_prefetch = 0 : i64, scratch_operands = 0 : i64, tpu.core_type = #tpu.core_type<tc>} {
    %get3A = arith.constant 0 : index
    %get3A_0 = arith.constant 0 : index
    %get3A_1 = vector.load %arg0[%get3A, %get3A_0] : memref<10000x128xf32, #tpu.memory_space<vmem>>, vector<10000x128xf32>
    %get3A_2 = arith.constant 0 : index
    %get3A_3 = arith.constant 0 : index
    %get3A_4 = vector.load %arg1[%get3A_2, %get3A_3] : memref<128x20xf32, #tpu.memory_space<vmem>>, vector<128x20xf32>
    %dot_general3A = arith.constant dense<0.000000e+00> : vector<10000x20xf32>
    %dot_general3A_5 = tpu.matmul %get3A_1, %get3A_4, %dot_general3A {dimension_numbers = #tpu.dot_dimension_numbers<[1], [0], [0], [1], [0, 0, 1, 1], [], []>, precision = #tpu.contract_precision<fp32>, transpose_lhs_hint = false} : vector<10000x128xf32>, vector<128x20xf32>, vector<10000x20xf32> -> vector<10000x20xf32>
    %swap3A = arith.constant 0 : index
    %swap3A_6 = arith.constant 0 : index
    %swap3A_7 = vector.load %arg2[%swap3A, %swap3A_6] : memref<10000x20xf32, #tpu.memory_space<vmem>>, vector<10000x20xf32>
    tpu.vector_store %arg2[%swap3A, %swap3A_6], %dot_general3A_5 {strides = array<i32>} : memref<10000x20xf32, #tpu.memory_space<vmem>>, vector<10000x20xf32>,
    return
  }
}

module attributes {stable_mosaic.version = 14 : i64} {
  func.func @body(%arg0: memref<20224x16xf32, #tpu.memory_space<vmem>>, %arg1: memref<10000x20xf32, #tpu.memory_space<vmem>>, %arg2: memref<10000x20xf32, #tpu.memory_space<vmem>>, %arg3: memref<10000x1xf32, #tpu.memory_space<vmem>>) attributes {dimension_semantics = [], scalar_prefetch = 0 : i64, scratch_operands = 0 : i64, tpu.core_type = #tpu.core_type<tc>} {
    %get3A = arith.constant 0 : index
    %get3A_0 = arith.constant 0 : index
    %get3A_1 = vector.load %arg0[%get3A, %get3A_0] : memref<20224x16xf32, #tpu.memory_space<vmem>>, vector<10000x1xf32>
    %add3A = arith.constant 0.000000e+00 : f32
    %add3A_2 = vector.broadcast %add3A : f32 to vector<10000x1xf32>
    %add3A_3 = arith.addf %add3A_2, %get3A_1 : vector<10000x1xf32>
    %get3A_4 = arith.constant 10112 : index
    %get3A_5 = arith.constant 0 : index
    %get3A_6 = vector.load %arg0[%get3A_4, %get3A_5] : memref<20224x16xf32, #tpu.memory_space<vmem>>, vector<10000x1xf32>
    %add3A_7 = arith.addf %add3A_3, %get3A_6 : vector<10000x1xf32>
    %add3A_8 = arith.constant 1.000000e+00 : f32
    %add3A_9 = vector.broadcast %add3A_8 : f32 to vector<10000x1xf32>
    %add3A_10 = arith.addf %add3A_7, %add3A_9 : vector<10000x1xf32>
    %rsqrt3A = math.rsqrt %add3A_10 : vector<10000x1xf32>
    %swap3A = arith.constant 0 : index
    %swap3A_11 = arith.constant 0 : index
    %swap3A_12 = vector.load %arg3[%swap3A, %swap3A_11] : memref<10000x1xf32, #tpu.memory_space<vmem>>, vector<10000x1xf32>
    tpu.vector_store %arg3[%swap3A, %swap3A_11], %rsqrt3A {strides = array<i32>} : memref<10000x1xf32, #tpu.memory_space<vmem>>, vector<10000x1xf32>,
    %get3A_13 = arith.constant 0 : index
    %get3A_14 = arith.constant 0 : index
    %get3A_15 = vector.load %arg1[%get3A_13, %get3A_14] : memref<10000x20xf32, #tpu.memory_space<vmem>>, vector<10000x20xf32>
    %mul3A = vector.broadcast %rsqrt3A : vector<10000x1xf32> to vector<10000x20xf32>
    %mul3A_16 = arith.mulf %get3A_15, %mul3A : vector<10000x20xf32>
    %swap3A_17 = arith.constant 0 : index
    %swap3A_18 = arith.constant 0 : index
    %swap3A_19 = vector.load %arg2[%swap3A_17, %swap3A_18] : memref<10000x20xf32, #tpu.memory_space<vmem>>, vector<10000x20xf32>
    tpu.vector_store %arg2[%swap3A_17, %swap3A_18], %mul3A_16 {strides = array<i32>} : memref<10000x20xf32, #tpu.memory_space<vmem>>, vector<10000x20xf32>,
    return
  }
}

module attributes {stable_mosaic.version = 14 : i64} {
  func.func @body(%arg0: memref<20224x32xbf16, #tpu.memory_space<vmem>>, %arg1: memref<10000x20xf32, #tpu.memory_space<vmem>>, %arg2: memref<10000x1xf32, #tpu.memory_space<vmem>>, %arg3: memref<1x20xf32, #tpu.memory_space<vmem>>, %arg4: memref<20x10xf32, #tpu.memory_space<vmem>>, %arg5: memref<10000x10xf32, #tpu.memory_space<vmem>>) attributes {dimension_semantics = [], scalar_prefetch = 0 : i64, scratch_operands = 0 : i64, tpu.core_type = #tpu.core_type<tc>} {
    %get3A = arith.constant 0 : index
    %get3A_0 = arith.constant 0 : index
    %get3A_1 = vector.load %arg0[%get3A, %get3A_0] : memref<20224x32xbf16, #tpu.memory_space<vmem>>, vector<10000x20xbf16>
    %convert_element_type3A = arith.extf %get3A_1 : vector<10000x20xbf16> to vector<10000x20xf32>
    %add3A = arith.constant 0.000000e+00 : f32
    %add3A_2 = vector.broadcast %add3A : f32 to vector<10000x20xf32>
    %add3A_3 = arith.addf %add3A_2, %convert_element_type3A : vector<10000x20xf32>
    %get3A_4 = arith.constant 10112 : index
    %get3A_5 = arith.constant 0 : index
    %get3A_6 = vector.load %arg0[%get3A_4, %get3A_5] : memref<20224x32xbf16, #tpu.memory_space<vmem>>, vector<10000x20xbf16>
    %convert_element_type3A_7 = arith.extf %get3A_6 : vector<10000x20xbf16> to vector<10000x20xf32>
    %add3A_8 = arith.addf %add3A_3, %convert_element_type3A_7 : vector<10000x20xf32>
    %get3A_9 = arith.constant 0 : index
    %get3A_10 = arith.constant 0 : index
    %get3A_11 = vector.load %arg1[%get3A_9, %get3A_10] : memref<10000x20xf32, #tpu.memory_space<vmem>>, vector<10000x20xf32>
    %add3A_12 = arith.addf %add3A_8, %get3A_11 : vector<10000x20xf32>
    %get3A_13 = arith.constant 0 : index
    %get3A_14 = arith.constant 0 : index
    %get3A_15 = vector.load %arg2[%get3A_13, %get3A_14] : memref<10000x1xf32, #tpu.memory_space<vmem>>, vector<10000x1xf32>
    %mul3A = vector.broadcast %get3A_15 : vector<10000x1xf32> to vector<10000x20xf32>
    %mul3A_16 = arith.mulf %add3A_12, %mul3A : vector<10000x20xf32>
    %get3A_17 = arith.constant 0 : index
    %get3A_18 = arith.constant 0 : index
    %get3A_19 = vector.load %arg3[%get3A_17, %get3A_18] : memref<1x20xf32, #tpu.memory_space<vmem>>, vector<1x20xf32>
    %add3A_20 = vector.broadcast %get3A_19 : vector<1x20xf32> to vector<10000x20xf32>
    %add3A_21 = arith.addf %mul3A_16, %add3A_20 : vector<10000x20xf32>
    %max3A = arith.constant 0.000000e+00 : f32
    %max3A_22 = vector.broadcast %max3A : f32 to vector<10000x20xf32>
    %max3A_23 = arith.maximumf %add3A_21, %max3A_22 : vector<10000x20xf32>
    %get3A_24 = arith.constant 0 : index
    %get3A_25 = arith.constant 0 : index
    %get3A_26 = vector.load %arg4[%get3A_24, %get3A_25] : memref<20x10xf32, #tpu.memory_space<vmem>>, vector<20x10xf32>
    %dot_general3A = arith.constant dense<0.000000e+00> : vector<10000x10xf32>
    %dot_general3A_27 = tpu.matmul %max3A_23, %get3A_26, %dot_general3A {dimension_numbers = #tpu.dot_dimension_numbers<[1], [0], [0], [1], [0, 0, 1, 1], [], []>, precision = #tpu.contract_precision<fp32>, transpose_lhs_hint = false} : vector<10000x20xf32>, vector<20x10xf32>, vector<10000x10xf32> -> vector<10000x10xf32>
    %get3A_28 = arith.constant 0 : index
    %get3A_29 = arith.constant 0 : index
    %get3A_30 = vector.load %arg2[%get3A_28, %get3A_29] : memref<10000x1xf32, #tpu.memory_space<vmem>>, vector<10000x1xf32>
    %mul3A_31 = vector.broadcast %get3A_30 : vector<10000x1xf32> to vector<10000x10xf32>
    %mul3A_32 = arith.mulf %dot_general3A_27, %mul3A_31 : vector<10000x10xf32>
    %swap3A = arith.constant 0 : index
    %swap3A_33 = arith.constant 0 : index
    %swap3A_34 = vector.load %arg5[%swap3A, %swap3A_33] : memref<10000x10xf32, #tpu.memory_space<vmem>>, vector<10000x10xf32>
    tpu.vector_store %arg5[%swap3A, %swap3A_33], %mul3A_32 {strides = array<i32>} : memref<10000x10xf32, #tpu.memory_space<vmem>>, vector<10000x10xf32>,
    return
  }
}

module attributes {stable_mosaic.version = 14 : i64} {
  func.func @body(%arg0: memref<20224x16xf32, #tpu.memory_space<vmem>>, %arg1: memref<10000x10xf32, #tpu.memory_space<vmem>>, %arg2: memref<10000x1xf32, #tpu.memory_space<vmem>>, %arg3: memref<1x10xf32, #tpu.memory_space<vmem>>, %arg4: memref<10000x10xf32, #tpu.memory_space<vmem>>) attributes {dimension_semantics = [], scalar_prefetch = 0 : i64, scratch_operands = 0 : i64, tpu.core_type = #tpu.core_type<tc>} {
    %get3A = arith.constant 0 : index
    %get3A_0 = arith.constant 0 : index
    %get3A_1 = vector.load %arg0[%get3A, %get3A_0] : memref<20224x16xf32, #tpu.memory_space<vmem>>, vector<10000x10xf32>
    %add3A = arith.constant 0.000000e+00 : f32
    %add3A_2 = vector.broadcast %add3A : f32 to vector<10000x10xf32>
    %add3A_3 = arith.addf %add3A_2, %get3A_1 : vector<10000x10xf32>
    %get3A_4 = arith.constant 10112 : index
    %get3A_5 = arith.constant 0 : index
    %get3A_6 = vector.load %arg0[%get3A_4, %get3A_5] : memref<20224x16xf32, #tpu.memory_space<vmem>>, vector<10000x10xf32>
    %add3A_7 = arith.addf %add3A_3, %get3A_6 : vector<10000x10xf32>
    %get3A_8 = arith.constant 0 : index
    %get3A_9 = arith.constant 0 : index
    %get3A_10 = vector.load %arg1[%get3A_8, %get3A_9] : memref<10000x10xf32, #tpu.memory_space<vmem>>, vector<10000x10xf32>
    %add3A_11 = arith.addf %add3A_7, %get3A_10 : vector<10000x10xf32>
    %get3A_12 = arith.constant 0 : index
    %get3A_13 = arith.constant 0 : index
    %get3A_14 = vector.load %arg2[%get3A_12, %get3A_13] : memref<10000x1xf32, #tpu.memory_space<vmem>>, vector<10000x1xf32>
    %mul3A = vector.broadcast %get3A_14 : vector<10000x1xf32> to vector<10000x10xf32>
    %mul3A_15 = arith.mulf %add3A_11, %mul3A : vector<10000x10xf32>
    %get3A_16 = arith.constant 0 : index
    %get3A_17 = arith.constant 0 : index
    %get3A_18 = vector.load %arg3[%get3A_16, %get3A_17] : memref<1x10xf32, #tpu.memory_space<vmem>>, vector<1x10xf32>
    %add3A_19 = vector.broadcast %get3A_18 : vector<1x10xf32> to vector<10000x10xf32>
    %add3A_20 = arith.addf %mul3A_15, %add3A_19 : vector<10000x10xf32>
    %swap3A = arith.constant 0 : index
    %swap3A_21 = arith.constant 0 : index
    %swap3A_22 = vector.load %arg4[%swap3A, %swap3A_21] : memref<10000x10xf32, #tpu.memory_space<vmem>>, vector<10000x10xf32>
    tpu.vector_store %arg4[%swap3A, %swap3A_21], %add3A_20 {strides = array<i32>} : memref<10000x10xf32, #tpu.memory_space<vmem>>, vector<10000x10xf32>,
    return
  }
}

</mosaic_0001>

<sc_bundles>
// kernel: kernel.12.cloned.1.call-start
scs
__scs_entry_jumppad:
0x0: {  	(pc) =	sbr.rel $0x88, $3  }
0x1: {  	(tag) =	ssettag $0x0;
	lr =	simm.s32 $0x1  }
0x2: {  	[smem:$0x3F9B] =	sst lr;
	_ =	strace $0xD0000000  }
0x3: {  	_ = 	snop  }
0x4: {  	_ = 	snop  }
0x5: {  	_ = 	snop  }
0x6: {  	_ = 	snop  }
0x7: {  	_ = 	snop  }
__scs_overlays_trampoline_lowered:
0x8: {  	[smem:$0x3FAA] =	sst s0  }
0x9: {  	[smem:$0x3FAB] =	sst s1  }
0xa: {  	[smem:$0x3FAC] =	sst s2  }
0xb: {  	[smem:$0x3FAD] =	sst s3  }
0xc: {  	[smem:$0x3FAE] =	sst s4  }
0xd: {  	[smem:$0x3FAF] =	sst s5  }
0xe: {  	[smem:$0x3FB0] =	sst s6  }
0xf: {  	[smem:$0x3FB1] =	sst s7  }
0x10: {  	[smem:$0x3FB2] =	sst s8  }
0x11: {  	[smem:$0x3FB3] =	sst s9;
	s0 =	simm.s32 @!p0 $0x0  }
0x12: {  	s1 =	sld [smem:$0x3F99];
	s0 =	simm.s32 @p0 $0x1  }
0x13: {  	[smem:$0x3FB4] =	sst s0;
	s0 =	simm.s32 @!p1 $0x0  }
0x14: {  	s2 =	sld [smem:$0x3F98];
	s0 =	simm.s32 @p1 $0x1  }
0x15: {  	[smem:$0x3FB5] =	sst s0;
	s0 =	simm.s32 @!p2 $0x0  }
0x16: {  	s3 =	sld [smem:$0x3FDB];
	s0 =	simm.s32 @p2 $0x1  }
0x17: {  	s4 =	simm.s32 $0x1BF5;
	[smem:$0x3FB7] =	sst s0  }
0x18: {  	s0 =	sld [smem:$0x3F9A];
	_ =	swait.ge [sflag:s4], $0x0  }
0x19: {  	s7 =	sld [smem:$0x3F9B]  }
0x1a: {  	s8 =	sadd.s32 $0xFFFFE003, lr  }
0x1b: {  	s9 =	sadd.s32 $0xFFFFFEF7, lr;
	s5 =	simm.s32 $0xFFFFFFFF;
	p2 =	slt.u32 s8, $0xFFFFF086  }
0x1c: {  	p1 =	slt.u32 s9, $0xF7A;
	s5 =	simm.s32 @!p2 $0x0  }
0x1d: {  	s5 =	simm.s32 @p1 $0x1;
	p0 =	seq.s32 s7, s2  }
0x1e: {  	s7 =	smul.u32 @!p0 $0xF7A, s2;
	p2 =	seq.s32 @!p0 s5, $0x0  }
0x1f: {  	s9 =	smul.u32 $0xF7A, s1;
	s8 =	simm.s32 @!p0 $0x1BF5;
	p2 =	por !p2, p0  }
0x20: {  	[sflag:s8] =	ssyncset.s32 @!p0 $0xFFFFF086;
	s6 =	sadd.s32 @!p0 s3, s7;
	s7 =	simm.s32 @!p0 $0x108  }
0x21: {  	s3 =	sadd.s32 s3, s9;
	s6 =	sadd.s32 @!p0 $0x88, s6;
	s7 =	simm.s32 @p2 $0x1082  }
0x22: {  	[simem:s7], [sflag:s8] =	dma.local @!p0 [hbm:s6], $0xF7A  }
0x23: {  	s9 =	sor.u32 $0xD0000000, s2;
	s6 =	simm.s32 $0x108;
	_ =	swait.ge @!p0 [sflag:s8], $0x0  }
0x24: {  	s3 =	sadd.s32 $0x88, s3;
	s6 =	simm.s32 @!p1 $0x1082;
	[sflag:s4] =	ssyncset.s32 $0xFFFFF086  }
0x25: {  	[simem:s6], [sflag:s4] =	dma.local [hbm:s3], $0xF7A  }
0x26: {  	[smem:$0x3F9B] =	sst s1;
	(tag) =	ssettag s2;
	_ =	strace s9  }
0x27: {  	s1 =	sld [smem:$0x3FAB]  }
0x28: {  	s2 =	sld [smem:$0x3FAC]  }
0x29: {  	s4 =	sld [smem:$0x3FAE]  }
0x2a: {  	p0 =	seq.s32 s5, $0x0;
	s5 =	sld [smem:$0x3FAF]  }
0x2b: {  	s6 =	sld [smem:$0x3FB0]  }
0x2c: {  	s7 =	sld [smem:$0x3FB1]  }
0x2d: {  	s3 =	simm.s32 $0x108;
	s8 =	sld [smem:$0x3FB2]  }
0x2e: {  	s3 =	simm.s32 @!p0 $0x1082;
	s9 =	sld [smem:$0x3FB3]  }
0x2f: {  	lr =	sadd.s32 s0, s3;
	s0 =	sld [smem:$0x3FAA]  }
0x30: {  	s3 =	sld [smem:$0x3FAD]  }
0x31: {  	[smem:$0x3FB6] =	sst s10  }
0x32: {  	s10 =	sld [smem:$0x3FB4];
	_ =	sdelay $0x3  }
0x33: {  	p0 =	seq.s32 s10, $0x1;
	s10 =	sld [smem:$0x3FB6];
	_ =	sdelay $0x3  }
0x34: {  	[smem:$0x3FB6] =	sst s10  }
0x35: {  	s10 =	sld [smem:$0x3FB5];
	_ =	sdelay $0x3  }
0x36: {  	p1 =	seq.s32 s10, $0x1;
	s10 =	sld [smem:$0x3FB6];
	_ =	sdelay $0x3  }
0x37: {  	[smem:$0x3FB6] =	sst s10  }
0x38: {  	s10 =	sld [smem:$0x3FB7]  }
0x39: {  	_ = 	snop;
	(pc) =	sbr.ind lr, $3  }
0x3a: {  	_ = 	snop  }
0x3b: {  	_ = 	snop  }
0x3c: {  	p2 =	seq.s32 s10, $0x1;
	s10 =	sld [smem:$0x3FB6]  }
0x3d: {  	_ =	shalt  }
0x3e: {  	_ =	shalt  }
0x3f: {  	_ =	shalt  }
0x40: {  	_ =	shalt  }
0x41: {  	_ =	shalt  }
0x42: {  	_ =	shalt  }
0x43: {  	_ =	shalt  }
0x44: {  	_ =	shalt  }
0x45: {  	_ =	shalt  }
0x46: {  	_ =	shalt  }
0x47: {  	_ =	shalt  }
0x48: {  	_ =	shalt  }
0x49: {  	_ =	shalt  }
0x4a: {  	_ =	shalt  }
0x4b: {  	_ =	shalt  }
0x4c: {  	_ =	shalt  }
0x4d: {  	_ =	shalt  }
0x4e: {  	_ =	shalt  }
0x4f: {  	_ =	shalt  }
0x50: {  	_ =	shalt  }
0x51: {  	_ =	shalt  }
0x52: {  	_ =	shalt  }
0x53: {  	_ =	shalt  }
0x54: {  	_ =	shalt  }
0x55: {  	_ =	shalt  }
0x56: {  	_ =	shalt  }
0x57: {  	_ =	shalt  }
0x58: {  	_ =	shalt  }
0x59: {  	_ =	shalt  }
0x5a: {  	_ =	shalt  }
0x5b: {  	_ =	shalt  }
0x5c: {  	_ =	shalt  }
0x5d: {  	_ =	shalt  }
0x5e: {  	_ =	shalt  }
0x5f: {  	_ =	shalt  }
0x60: {  	_ =	shalt  }
0x61: {  	_ =	shalt  }
0x62: {  	_ =	shalt  }
0x63: {  	_ =	shalt  }
0x64: {  	_ =	shalt  }
0x65: {  	_ =	shalt  }
0x66: {  	_ =	shalt  }
0x67: {  	_ =	shalt  }
0x68: {  	_ =	shalt  }
0x69: {  	_ =	shalt  }
0x6a: {  	_ =	shalt  }
0x6b: {  	_ =	shalt  }
0x6c: {  	_ =	shalt  }
0x6d: {  	_ =	shalt  }
0x6e: {  	_ =	shalt  }
0x6f: {  	_ =	shalt  }
0x70: {  	_ =	shalt  }
0x71: {  	_ =	shalt  }
0x72: {  	_ =	shalt  }
0x73: {  	_ =	shalt  }
0x74: {  	_ =	shalt  }
0x75: {  	_ =	shalt  }
0x76: {  	_ =	shalt  }
0x77: {  	_ =	shalt  }
0x78: {  	_ =	shalt  }
0x79: {  	_ =	shalt  }
0x7a: {  	_ =	shalt  }
0x7b: {  	_ =	shalt  }
0x7c: {  	_ =	shalt  }
0x7d: {  	_ =	shalt  }
0x7e: {  	_ =	shalt  }
0x7f: {  	_ =	shalt  }
0x80: {  	_ =	shalt  }
0x81: {  	_ =	shalt  }
0x82: {  	_ =	shalt  }
0x83: {  	_ =	shalt  }
0x84: {  	_ =	shalt  }
0x85: {  	_ =	shalt  }
0x86: {  	_ =	shalt  }
0x87: {  	_ =	shalt  }
.Lfunc_end0:
.L_simem_size_0:
called_computation.1_lowered:
.L_overlay_start_0:
0x88: {  	s2 =	sld [smem:$0x3FD9]  }
0x89: {  	s3 =	sld [smem:$0x3FFE];
	_ =	sdelay $0x1  }
0x8a: {  	s1 =	srdreg.scid  }
0x8b: {  	s0 =	sand.u32 $0x1, s1  }
0x8c: {  	s16 =	sshll.u32 s0, $0xA;
	s2 =	sadd.s32 s3, s2  }
0x8d: {  	s2 =	sadd.s32 s2, s16  }
0x8e: {  	[smem:$0x3FC2] =	sst s2  }
0x8f: {  	_ = 	snop  }
0x90: {  	(tm) =	ssettm $0x1  }
0x91: {  	s17 =	sld [smem:$0x3FFB];
	_ =	sdelay $0x3  }
0x92: {  	_ =	strace s17  }
0x93: {  	s2 =	sld [smem:$0x3FFC];
	_ =	sdelay $0x3  }
0x94: {  	_ =	strace s2  }
0x95: {  	s2 =	sld [smem:$0x3FFD];
	_ =	sdelay $0x3  }
0x96: {  	_ =	strace s2  }
0x97: {  	_ =	strace $0x8FFFFFFF  }
0x98: {  	s18 =	sld [smem:$0x3FDB];
	_ =	sdelay $0x1  }
0x99: {  	s19 =	simm.s32 $_scs_section_size  }
0x9a: {  	s4 =	simm.s32 $_size__tile_overlayer_lowered;
	s5 =	simm.s32 $_tile_overlayer_lowered  }
0x9b: {  	s22 =	simm.s32 $0x1BFF;
	s21 =	sshll.u32 s5, $0x1;
	s2 =	sadd.s32 s19, s18  }
0x9c: {  	s6 =	simm.s32 $0x0;
	s20 =	sshll.u32 s4, $0x1;
	s4 =	sadd.s32 s21, s2  }
0x9d: {  	[timem:s6], [sflag:s22] =	dma.local [hbm:s4], s20  }
0x9e: {  	_ =	swait.ge [sflag:s22], s20  }
0x9f: {  	s3 =	ssub.s32 $0x0, s20;
	[sflag:s22] =	ssyncset.done $0x0  }
0xa0: {  	[sflag:s22] =	ssyncadd.s32 s3;
	_ =	sdelay $0x1  }
0xa1: {  	s23 =	simm.s32 $0x1B8B  }
0xa2: {  	_ =	swait.ge [sflag:s23], $0x1  }
0xa3: {  	[sflag:s23] =	ssyncset.done $0x0  }
0xa4: {  	s25 =	simm.s32 $0x1B8E;
	s24 =	sld [smem:$0x3FFE];
	[sflag:s23] =	ssyncadd.s32 $0xFFFFFFFF  }
0xa5: {  	s26 =	simm.s32 $execute0_lowered;
	[smem:$0x3FD2] =	sst s25  }
0xa6: {  	s4 =	sshll.u32 s26, $0x1;
	_ =	strace $0x80000049;
	[dreg:$0x1] =	wrdreg $0xFFFFFFFF  }
0xa7: {  	s28 =	simm.s32 $_size_execute0_lowered;
	s2 =	sadd.s32 s2, s4;
	[dreg:$0x0] =	wrdreg $0x0  }
0xa8: {  	s4 =	sshll.u32 s28, $0x1;
	[dreg:$0x2] =	wrdreg s2  }
0xa9: {  	[dreg:$0x3] =	wrdreg s4  }
0xaa: {  	[dreg:$0x4] =	wrdreg $0xC0  }
0xab: {  	_ =	task [dreg:s6], $0x5FFFF  }
0xac: {  	[dreg:$0x1] =	wrdreg $0xFFFFFFFF  }
0xad: {  	[dreg:$0x0] =	wrdreg $0x60  }
0xae: {  	[dreg:$0x2] =	wrdreg s24  }
0xaf: {  	[dreg:$0x3] =	wrdreg $0x190000  }
0xb0: {  	[dreg:$0x4] =	wrdreg $0x1B7800  }
0xb1: {  	[dreg:$0x5] =	wrdreg $0x9  }
0xb2: {  	_ =	task.clear_ibuf [dreg:s6], $0x6FFFF;
	_ =	strace $0x90000049  }
0xb3: {  	s29 =	simm.s32 $0x9;
	_ =	strace $0x8000004B  }
0xb4: {  	_ =	swait.ge [sflag:s29], $0x1  }
0xb5: {  	[sflag:s29] =	ssyncadd.s32 $0xFFFFFFFF  }
0xb6: {  	_ =	strace $0x9000004B  }
0xb7: {  	_ =	sfence  }
0xb8: {  	s30 =	sld [smem:$0x0];
	_ =	sdelay $0x2  }
0xb9: {  	s31 =	sshll.u32 s1, $0xD;
	s1 =	sshrl.u32 s1, $0x2  }
0xba: {  	s3 =	sand.u32 $0x4000, s31;
	s1 =	sadd.s32 s1, s30  }
0xbb: {  	s0 =	sor.u32 s3, s0;
	s1 =	sshll.u32 s1, $0x11  }
0xbc: {  	s0 =	sor.u32 s1, s0  }
0xbd: {  	s0 =	sadd.s32 $0x8F2B, s0  }
0xbe: {  	[sflag:s0] =	ssyncadd.remote.s32 $0x1  }
0xbf: {  	_ =	sfence.sel $0xFFFF  }
0xc0: {  	[dreg:$0x0] =	wrdreg $0xFFFFFFFF;
	(pc) =	sbr.abs _section_cstart, $3  }
0xc1: {  	[dreg:$0x1] =	wrdreg $0xFFFFFFFF  }
0xc2: {  	_ =	task.clear_ibuf [dreg:s6], $0x2FFFF;
	_ =	strace $0x9FFFFFFF  }
0xc3: {  	(tm) =	ssettm $0x7FFFFFFF  }
tec
execute0_lowered:
.L_overlay_start_1:
0x0: {  	(tag) =	ssettag $0x1  }
0x1: {  	s24 =	rddreg [dreg:$0x0]  }
0x2: {  	s2 =	rddreg [dreg:$0x1]  }
0x3: {  	s3 =	rddreg [dreg:$0x2];
	s1 =	stileid.u32  }
0x4: {  	s0 =	rddreg [dreg:$0x3];
	s4 =	simm.s32 $0x0;
	s6 =	srdreg.scid  }
0x5: {  	s5 =	smul.u32 $0x4F00, s1;
	[smem:$0x7FF] =	sst s4  }
0x6: {  	s25 =	sand.u32 $0x1, s6;
	s9 =	sshll.u32 s1, $0x1;
	s30 =	sshll.u32 s1, $0x6  }
0x7: {  	_ =	strace $0x8000004A;
	s29 =	sshrl.u32 s5, $0x4;
	s11 =	sshrl.u32 s5, $0x1  }
0x8: {  	s6 =	sor.u32 $0x1C03, s30;
	s10 =	sadd.s32 s29, s24;
	s7 =	sadd.s32 s11, s2  }
0x9: {  	s5 =	sadd.s32 $0x15800, s10;
	s8 =	sshrl.u32 s7, $0x3;
	s7 =	simm.s32 $0x3  }
0xa: {  	[spmem:s8], [sflag:s6] =	dma.local [hbm:s5], $0x4F0  }
0xb: {  	s9 =	sor.u32 s25, s9;
	_ =	swait.ge [sflag:s7], $0x4F0  }
0xc: {  	s12 =	smul.u32 $0x500, s9;
	s11 =	sadd.s32 s11, s3;
	[sflag:s7] =	ssyncset.done $0x0  }
0xd: {  	s9 =	sadd.s32 $0x20A00, s10;
	s10 =	sshrl.u32 s11, $0x3;
	[sflag:s7] =	ssyncadd.s32 $0xFFFFFB10  }
0xe: {  	[spmem:s10], [sflag:s6] =	dma.local [hbm:s9], $0x4F0  }
0xf: {  	_ =	swait.ge [sflag:s7], $0x4F0  }
0x10: {  	s12 =	sadd.s32 s12, s24;
	[sflag:s7] =	ssyncset.done $0x0  }
0x11: {  	s11 =	sadd.s32 $0xB800, s12;
	[sflag:s7] =	ssyncadd.s32 $0xFFFFFB10  }
0x12: {  	[tilespmem:s4], [sflag:$0x3] =	stream.linear.gather [hbm4b:s11+s4], $0x2800, $0x38;
	[tilespmem:$0x1DF00] =	vst v63  }
0x13: {  	_ =	swait.ge [sflag:s7], $0x2800  }
0x14: {  	[sflag:s7] =	ssyncset.done $0x0  }
0x15: {  	s13 =	simm.s32 $0x2800;
	s12 =	sadd.s32 $0x1800, s12;
	[sflag:s7] =	ssyncadd.s32 $0xFFFFD800  }
0x16: {  	[tilespmem:s13], [sflag:$0x3] =	stream.linear.gather [hbm4b:s12+s4], $0x2800, $0x38;
	[tilespmem:$0x1DF00] =	vst v63  }
0x17: {  	_ =	swait.ge [sflag:s7], $0x2800  }
0x18: {  	[sflag:s7] =	ssyncset.done $0x0  }
0x19: {  	[sflag:s7] =	ssyncadd.s32 $0xFFFFD800  }
0x1a: {  	s14 =	simm.s32 $0xA00;
	s15 =	simm.s32 $0x5000;
	[bflag:$0x0] =	sbarrier.arrive $0xFFFF  }
0x1b: {  	[tilespmem:s15], [sflag:$0x1] =	stream.indirect.gather [spmem:s2], $0x10, s4, s14, $0xb8;
	[tilespmem:$0x1DF00] =	vst v63  }
0x1c: {  	s16 =	simm.s32 $0xF000;
	s17 =	simm.s32 $0x1  }
0x1d: {  	[tilespmem:s16], [sflag:$0x2] =	stream.indirect.gather [spmem:s2], $0x10, s14, s14, $0xb8;
	[tilespmem:$0x1DF00] =	vst v63  }
0x1e: {  	_ =	swait.ge [sflag:s17], $0xA000  }
0x1f: {  	[sflag:s17] =	ssyncset.done $0x0  }
0x20: {  	[sflag:s17] =	ssyncadd.s32 $0xFFFF6000  }
0x21: {  	[spmem:s3] =	stream.indirect.scatter.add.bf16 [tilespmem:s15], [sflag:$0x3], $0x10, s13, s14, $0xb8;
	[tilespmem:$0x1DF00] =	vst v63  }
0x22: {  	_ =	swait.ge [sflag:s7], $0xA000  }
0x23: {  	[sflag:s7] =	ssyncset.done $0x0  }
0x24: {  	s18 =	simm.s32 $0x2;
	[sflag:s7] =	ssyncadd.s32 $0xFFFF6000  }
0x25: {  	_ =	swait.ge [sflag:s18], $0xA000  }
0x26: {  	[sflag:s18] =	ssyncset.done $0x0  }
0x27: {  	s19 =	simm.s32 $0x3200;
	[sflag:s18] =	ssyncadd.s32 $0xFFFF6000  }
0x28: {  	[spmem:s3] =	stream.indirect.scatter.add.bf16 [tilespmem:s16], [sflag:$0x3], $0x10, s19, s14, $0xb8;
	[tilespmem:$0x1DF00] =	vst v63  }
0x29: {  	_ =	swait.ge [sflag:s7], $0xA000  }
0x2a: {  	[sflag:s7] =	ssyncset.done $0x0  }
0x2b: {  	s20 =	simm.s32 $0x1400;
	[sflag:s7] =	ssyncadd.s32 $0xFFFF6000  }
0x2c: {  	[tilespmem:s15], [sflag:$0x1] =	stream.indirect.gather [spmem:s2], $0x10, s20, s14, $0xb8;
	[tilespmem:$0x1DF00] =	vst v63  }
0x2d: {  	s21 =	simm.s32 $0x1E00  }
0x2e: {  	[tilespmem:s16], [sflag:$0x2] =	stream.indirect.gather [spmem:s2], $0x10, s21, s14, $0xb8;
	[tilespmem:$0x1DF00] =	vst v63  }
0x2f: {  	_ =	swait.ge [sflag:s17], $0xA000  }
0x30: {  	[sflag:s17] =	ssyncset.done $0x0  }
0x31: {  	s22 =	simm.s32 $0x3C00;
	[sflag:s17] =	ssyncadd.s32 $0xFFFF6000  }
0x32: {  	[spmem:s3] =	stream.indirect.scatter.add.bf16 [tilespmem:s15], [sflag:$0x3], $0x10, s22, s14, $0xb8;
	[tilespmem:$0x1DF00] =	vst v63  }
0x33: {  	_ =	swait.ge [sflag:s7], $0xA000  }
0x34: {  	[sflag:s7] =	ssyncset.done $0x0  }
0x35: {  	[sflag:s7] =	ssyncadd.s32 $0xFFFF6000  }
0x36: {  	s28 =	smul.u32 $0x4F00, s25;
	s25 =	ssub.s32 $0x2, s25;
	_ =	swait.ge [sflag:s18], $0xA000  }
0x37: {  	s23 =	simm.s32 $0x4600;
	s31 =	sshrl.u32 s25, $0x1;
	[sflag:s18] =	ssyncset.done $0x0  }
0x38: {  	s26 =	smul.u32 $0x4F0, s1;
	s25 =	ssub.s32 s25, s31;
	[sflag:s18] =	ssyncadd.s32 $0xFFFF6000  }
0x39: {  	[spmem:s3] =	stream.indirect.scatter.add.bf16 [tilespmem:s16], [sflag:$0x3], $0x10, s23, s14, $0xb8;
	[tilespmem:$0x1DF00] =	vst v63  }
0x3a: {  	s25 =	smax.u32 s25, $0x1;
	_ =	swait.ge [sflag:s7], $0xA000  }
0x3b: {  	s26 =	sadd.s32 s26, s28;
	p0 =	sne.s32 s25, $0x1;
	[sflag:s7] =	ssyncset.done $0x0  }
.Ltmp0:
0x3c: {  	s24 =	sadd.s32 s26, s24;
	[sflag:s7] =	ssyncadd.s32 $0xFFFF6000;
	(pc) =	sbr.rel @!p0 .LBB2_2-.Ltmp0, $4  }
0x3d: {  	s24 =	sadd.s32 $0x25A00, s24;
	[bflag:$0x0] =	sbarrier.arrive $0xFFFF  }
0x3e: {  	[hbm:s24], [sflag:s6] =	dma.local [spmem:s10], $0x4F0  }
0x3f: {  	_ =	swait.ge [sflag:s7], $0x4F0  }
0x40: {  	s25 =	sadd.s32 $0xFFFFFFFF, s25;
	[sflag:s7] =	ssyncset.done $0x0  }
.LBB2_1:
0x41: {  	p0 =	sne.s32 s25, $0x1;
	s25 =	sadd.s32 $0xFFFFFFFF, s25;
	[sflag:s7] =	ssyncadd.s32 $0xFFFFFB10  }
0x42: {  	[spmem:s8], [sflag:s6] =	dma.local [hbm:s5], $0x4F0  }
0x43: {  	_ =	swait.ge [sflag:s7], $0x4F0  }
0x44: {  	[sflag:s7] =	ssyncset.done $0x0  }
0x45: {  	[sflag:s7] =	ssyncadd.s32 $0xFFFFFB10  }
0x46: {  	[spmem:s10], [sflag:s6] =	dma.local [hbm:s9], $0x4F0  }
0x47: {  	_ =	swait.ge [sflag:s7], $0x4F0  }
0x48: {  	[sflag:s7] =	ssyncset.done $0x0  }
0x49: {  	[sflag:s7] =	ssyncadd.s32 $0xFFFFFB10  }
0x4a: {  	[tilespmem:s4], [sflag:$0x3] =	stream.linear.gather [hbm4b:s11+s4], $0x2800, $0x38;
	[tilespmem:$0x1DF00] =	vst v63  }
0x4b: {  	_ =	swait.ge [sflag:s7], $0x2800  }
0x4c: {  	[sflag:s7] =	ssyncset.done $0x0  }
0x4d: {  	[sflag:s7] =	ssyncadd.s32 $0xFFFFD800  }
0x4e: {  	[tilespmem:s13], [sflag:$0x3] =	stream.linear.gather [hbm4b:s12+s4], $0x2800, $0x38;
	[tilespmem:$0x1DF00] =	vst v63  }
0x4f: {  	_ =	swait.ge [sflag:s7], $0x2800  }
0x50: {  	[sflag:s7] =	ssyncset.done $0x0  }
0x51: {  	[sflag:s7] =	ssyncadd.s32 $0xFFFFD800  }
0x52: {  	[bflag:$0x0] =	sbarrier.arrive $0xFFFF  }
0x53: {  	[tilespmem:s15], [sflag:$0x1] =	stream.indirect.gather [spmem:s2], $0x10, s4, s14, $0xb8;
	[tilespmem:$0x1DF00] =	vst v63  }
0x54: {  	_ = 	snop  }
0x55: {  	[tilespmem:s16], [sflag:$0x2] =	stream.indirect.gather [spmem:s2], $0x10, s14, s14, $0xb8;
	[tilespmem:$0x1DF00] =	vst v63  }
0x56: {  	_ =	swait.ge [sflag:s17], $0xA000  }
0x57: {  	[sflag:s17] =	ssyncset.done $0x0  }
0x58: {  	[sflag:s17] =	ssyncadd.s32 $0xFFFF6000  }
0x59: {  	[spmem:s3] =	stream.indirect.scatter.add.bf16 [tilespmem:s15], [sflag:$0x3], $0x10, s13, s14, $0xb8;
	[tilespmem:$0x1DF00] =	vst v63  }
0x5a: {  	_ =	swait.ge [sflag:s7], $0xA000  }
0x5b: {  	[sflag:s7] =	ssyncset.done $0x0  }
0x5c: {  	[sflag:s7] =	ssyncadd.s32 $0xFFFF6000  }
0x5d: {  	_ =	swait.ge [sflag:s18], $0xA000  }
0x5e: {  	[sflag:s18] =	ssyncset.done $0x0  }
0x5f: {  	[sflag:s18] =	ssyncadd.s32 $0xFFFF6000  }
0x60: {  	[spmem:s3] =	stream.indirect.scatter.add.bf16 [tilespmem:s16], [sflag:$0x3], $0x10, s19, s14, $0xb8;
	[tilespmem:$0x1DF00] =	vst v63  }
0x61: {  	_ =	swait.ge [sflag:s7], $0xA000  }
0x62: {  	[sflag:s7] =	ssyncset.done $0x0  }
0x63: {  	[sflag:s7] =	ssyncadd.s32 $0xFFFF6000  }
0x64: {  	[tilespmem:s15], [sflag:$0x1] =	stream.indirect.gather [spmem:s2], $0x10, s20, s14, $0xb8;
	[tilespmem:$0x1DF00] =	vst v63  }
0x65: {  	_ = 	snop  }
0x66: {  	[tilespmem:s16], [sflag:$0x2] =	stream.indirect.gather [spmem:s2], $0x10, s21, s14, $0xb8;
	[tilespmem:$0x1DF00] =	vst v63  }
0x67: {  	_ =	swait.ge [sflag:s17], $0xA000  }
0x68: {  	[sflag:s17] =	ssyncset.done $0x0  }
0x69: {  	[sflag:s17] =	ssyncadd.s32 $0xFFFF6000  }
0x6a: {  	[spmem:s3] =	stream.indirect.scatter.add.bf16 [tilespmem:s15], [sflag:$0x3], $0x10, s22, s14, $0xb8;
	[tilespmem:$0x1DF00] =	vst v63  }
0x6b: {  	_ =	swait.ge [sflag:s7], $0xA000  }
0x6c: {  	[sflag:s7] =	ssyncset.done $0x0  }
0x6d: {  	[sflag:s7] =	ssyncadd.s32 $0xFFFF6000  }
0x6e: {  	_ =	swait.ge [sflag:s18], $0xA000  }
0x6f: {  	[sflag:s18] =	ssyncset.done $0x0  }
0x70: {  	[sflag:s18] =	ssyncadd.s32 $0xFFFF6000  }
0x71: {  	[spmem:s3] =	stream.indirect.scatter.add.bf16 [tilespmem:s16], [sflag:$0x3], $0x10, s23, s14, $0xb8;
	[tilespmem:$0x1DF00] =	vst v63  }
0x72: {  	_ =	swait.ge [sflag:s7], $0xA000  }
0x73: {  	[sflag:s7] =	ssyncset.done $0x0  }
.Ltmp1:
0x74: {  	[sflag:s7] =	ssyncadd.s32 $0xFFFF6000;
	(pc) =	sbr.rel @p0 .LBB2_1-.Ltmp1, $4  }
0x75: {  	[bflag:$0x0] =	sbarrier.arrive $0xFFFF  }
0x76: {  	[hbm:s24], [sflag:s6] =	dma.local [spmem:s10], $0x4F0  }
0x77: {  	_ =	swait.ge [sflag:s7], $0x4F0  }
0x78: {  	[sflag:s7] =	ssyncset.done $0x0  }
.LBB2_2:
0x79: {  	[sflag:s7] =	ssyncadd.s32 $0xFFFFFB10  }
0x7a: {  	_ =	sfence.sel $0x180000  }
0x7b: {  	[bflag:$0x0] =	sbarrier.arrive $0xFFFF  }
0x7c: {  	p0 =	sne.s32 s1, $0x0;
	_ =	strace $0x9000004A  }
0x7d: {  	s0 =	sadd.s32 @!p0 $0x100000, s0;
	[bflag:$0x2] =	sbarrier.arrive $0xFFFF  }
0x7e: {  	[sflag:s0] =	ssyncadd.tile.s32 @!p0 $0x1;
	_ =	shalt  }
.Lfunc_end2:
_tile_overlayer_lowered:
.L_overlay_start_2:
0x7f: {  	(tag) =	ssettag $0x2  }
0x80: {  	s0 =	rddreg [dreg:$0x0];
	s2 =	stileid.u32  }
0x81: {  	s1 =	rddreg [dreg:$0x1];
	p0 =	sne.s32 s2, $0x0  }
0x82: {  	s3 =	rddreg [dreg:$0x2];
	[bflag:$0x3] =	sbarrier.arrive $0xFFFF;
	s2 =	simm.s32 @!p0 $0x1C03  }
0x83: {  	[timem:s3], [sflag:s2] =	dma.local @!p0 [hbm:s0], s1  }
0x84: {  	s0 =	simm.s32 @!p0 $0x3  }
0x85: {  	_ =	swait.ge @!p0 [sflag:s0], s1  }
0x86: {  	s1 =	ssub.s32 @!p0 $0x0, s1;
	[sflag:s0] =	ssyncset.done @!p0 $0x0  }
0x87: {  	[sflag:s0] =	ssyncadd.s32 @!p0 s1  }
0x88: {  	[bflag:$0x3] =	sbarrier.arrive $0xFFFF  }
0x89: {  	_ =	shalt  }

// kernel: kernel.15.cloned.1.call-start
scs
__scs_entry_jumppad:
0x0: {  	(pc) =	sbr.rel $0x88, $3  }
0x1: {  	(tag) =	ssettag $0x0;
	lr =	simm.s32 $0x1  }
0x2: {  	[smem:$0x3F9B] =	sst lr;
	_ =	strace $0xD0000000  }
0x3: {  	_ = 	snop  }
0x4: {  	_ = 	snop  }
0x5: {  	_ = 	snop  }
0x6: {  	_ = 	snop  }
0x7: {  	_ = 	snop  }
__scs_overlays_trampoline_lowered:
0x8: {  	[smem:$0x3FAA] =	sst s0  }
0x9: {  	[smem:$0x3FAB] =	sst s1  }
0xa: {  	[smem:$0x3FAC] =	sst s2  }
0xb: {  	[smem:$0x3FAD] =	sst s3  }
0xc: {  	[smem:$0x3FAE] =	sst s4  }
0xd: {  	[smem:$0x3FAF] =	sst s5  }
0xe: {  	[smem:$0x3FB0] =	sst s6  }
0xf: {  	[smem:$0x3FB1] =	sst s7  }
0x10: {  	[smem:$0x3FB2] =	sst s8  }
0x11: {  	[smem:$0x3FB3] =	sst s9;
	s0 =	simm.s32 @!p0 $0x0  }
0x12: {  	s1 =	sld [smem:$0x3F99];
	s0 =	simm.s32 @p0 $0x1  }
0x13: {  	[smem:$0x3FB4] =	sst s0;
	s0 =	simm.s32 @!p1 $0x0  }
0x14: {  	s2 =	sld [smem:$0x3F98];
	s0 =	simm.s32 @p1 $0x1  }
0x15: {  	[smem:$0x3FB5] =	sst s0;
	s0 =	simm.s32 @!p2 $0x0  }
0x16: {  	s3 =	sld [smem:$0x3FDB];
	s0 =	simm.s32 @p2 $0x1  }
0x17: {  	s4 =	simm.s32 $0x1BF5;
	[smem:$0x3FB7] =	sst s0  }
0x18: {  	s0 =	sld [smem:$0x3F9A];
	_ =	swait.ge [sflag:s4], $0x0  }
0x19: {  	s7 =	sld [smem:$0x3F9B]  }
0x1a: {  	s8 =	sadd.s32 $0xFFFFE003, lr  }
0x1b: {  	s9 =	sadd.s32 $0xFFFFFEF7, lr;
	s5 =	simm.s32 $0xFFFFFFFF;
	p2 =	slt.u32 s8, $0xFFFFF086  }
0x1c: {  	p1 =	slt.u32 s9, $0xF7A;
	s5 =	simm.s32 @!p2 $0x0  }
0x1d: {  	s5 =	simm.s32 @p1 $0x1;
	p0 =	seq.s32 s7, s2  }
0x1e: {  	s7 =	smul.u32 @!p0 $0xF7A, s2;
	p2 =	seq.s32 @!p0 s5, $0x0  }
0x1f: {  	s9 =	smul.u32 $0xF7A, s1;
	s8 =	simm.s32 @!p0 $0x1BF5;
	p2 =	por !p2, p0  }
0x20: {  	[sflag:s8] =	ssyncset.s32 @!p0 $0xFFFFF086;
	s6 =	sadd.s32 @!p0 s3, s7;
	s7 =	simm.s32 @!p0 $0x108  }
0x21: {  	s3 =	sadd.s32 s3, s9;
	s6 =	sadd.s32 @!p0 $0x88, s6;
	s7 =	simm.s32 @p2 $0x1082  }
0x22: {  	[simem:s7], [sflag:s8] =	dma.local @!p0 [hbm:s6], $0xF7A  }
0x23: {  	s9 =	sor.u32 $0xD0000000, s2;
	s6 =	simm.s32 $0x108;
	_ =	swait.ge @!p0 [sflag:s8], $0x0  }
0x24: {  	s3 =	sadd.s32 $0x88, s3;
	s6 =	simm.s32 @!p1 $0x1082;
	[sflag:s4] =	ssyncset.s32 $0xFFFFF086  }
0x25: {  	[simem:s6], [sflag:s4] =	dma.local [hbm:s3], $0xF7A  }
0x26: {  	[smem:$0x3F9B] =	sst s1;
	(tag) =	ssettag s2;
	_ =	strace s9  }
0x27: {  	s1 =	sld [smem:$0x3FAB]  }
0x28: {  	s2 =	sld [smem:$0x3FAC]  }
0x29: {  	s4 =	sld [smem:$0x3FAE]  }
0x2a: {  	p0 =	seq.s32 s5, $0x0;
	s5 =	sld [smem:$0x3FAF]  }
0x2b: {  	s6 =	sld [smem:$0x3FB0]  }
0x2c: {  	s7 =	sld [smem:$0x3FB1]  }
0x2d: {  	s3 =	simm.s32 $0x108;
	s8 =	sld [smem:$0x3FB2]  }
0x2e: {  	s3 =	simm.s32 @!p0 $0x1082;
	s9 =	sld [smem:$0x3FB3]  }
0x2f: {  	lr =	sadd.s32 s0, s3;
	s0 =	sld [smem:$0x3FAA]  }
0x30: {  	s3 =	sld [smem:$0x3FAD]  }
0x31: {  	[smem:$0x3FB6] =	sst s10  }
0x32: {  	s10 =	sld [smem:$0x3FB4];
	_ =	sdelay $0x3  }
0x33: {  	p0 =	seq.s32 s10, $0x1;
	s10 =	sld [smem:$0x3FB6];
	_ =	sdelay $0x3  }
0x34: {  	[smem:$0x3FB6] =	sst s10  }
0x35: {  	s10 =	sld [smem:$0x3FB5];
	_ =	sdelay $0x3  }
0x36: {  	p1 =	seq.s32 s10, $0x1;
	s10 =	sld [smem:$0x3FB6];
	_ =	sdelay $0x3  }
0x37: {  	[smem:$0x3FB6] =	sst s10  }
0x38: {  	s10 =	sld [smem:$0x3FB7]  }
0x39: {  	_ = 	snop;
	(pc) =	sbr.ind lr, $3  }
0x3a: {  	_ = 	snop  }
0x3b: {  	_ = 	snop  }
0x3c: {  	p2 =	seq.s32 s10, $0x1;
	s10 =	sld [smem:$0x3FB6]  }
0x3d: {  	_ =	shalt  }
0x3e: {  	_ =	shalt  }
0x3f: {  	_ =	shalt  }
0x40: {  	_ =	shalt  }
0x41: {  	_ =	shalt  }
0x42: {  	_ =	shalt  }
0x43: {  	_ =	shalt  }
0x44: {  	_ =	shalt  }
0x45: {  	_ =	shalt  }
0x46: {  	_ =	shalt  }
0x47: {  	_ =	shalt  }
0x48: {  	_ =	shalt  }
0x49: {  	_ =	shalt  }
0x4a: {  	_ =	shalt  }
0x4b: {  	_ =	shalt  }
0x4c: {  	_ =	shalt  }
0x4d: {  	_ =	shalt  }
0x4e: {  	_ =	shalt  }
0x4f: {  	_ =	shalt  }
0x50: {  	_ =	shalt  }
0x51: {  	_ =	shalt  }
0x52: {  	_ =	shalt  }
0x53: {  	_ =	shalt  }
0x54: {  	_ =	shalt  }
0x55: {  	_ =	shalt  }
0x56: {  	_ =	shalt  }
0x57: {  	_ =	shalt  }
0x58: {  	_ =	shalt  }
0x59: {  	_ =	shalt  }
0x5a: {  	_ =	shalt  }
0x5b: {  	_ =	shalt  }
0x5c: {  	_ =	shalt  }
0x5d: {  	_ =	shalt  }
0x5e: {  	_ =	shalt  }
0x5f: {  	_ =	shalt  }
0x60: {  	_ =	shalt  }
0x61: {  	_ =	shalt  }
0x62: {  	_ =	shalt  }
0x63: {  	_ =	shalt  }
0x64: {  	_ =	shalt  }
0x65: {  	_ =	shalt  }
0x66: {  	_ =	shalt  }
0x67: {  	_ =	shalt  }
0x68: {  	_ =	shalt  }
0x69: {  	_ =	shalt  }
0x6a: {  	_ =	shalt  }
0x6b: {  	_ =	shalt  }
0x6c: {  	_ =	shalt  }
0x6d: {  	_ =	shalt  }
0x6e: {  	_ =	shalt  }
0x6f: {  	_ =	shalt  }
0x70: {  	_ =	shalt  }
0x71: {  	_ =	shalt  }
0x72: {  	_ =	shalt  }
0x73: {  	_ =	shalt  }
0x74: {  	_ =	shalt  }
0x75: {  	_ =	shalt  }
0x76: {  	_ =	shalt  }
0x77: {  	_ =	shalt  }
0x78: {  	_ =	shalt  }
0x79: {  	_ =	shalt  }
0x7a: {  	_ =	shalt  }
0x7b: {  	_ =	shalt  }
0x7c: {  	_ =	shalt  }
0x7d: {  	_ =	shalt  }
0x7e: {  	_ =	shalt  }
0x7f: {  	_ =	shalt  }
0x80: {  	_ =	shalt  }
0x81: {  	_ =	shalt  }
0x82: {  	_ =	shalt  }
0x83: {  	_ =	shalt  }
0x84: {  	_ =	shalt  }
0x85: {  	_ =	shalt  }
0x86: {  	_ =	shalt  }
0x87: {  	_ =	shalt  }
.Lfunc_end0:
.L_simem_size_0:
called_computation.2_lowered:
.L_overlay_start_0:
0x88: {  	s2 =	sld [smem:$0x3FD9]  }
0x89: {  	s3 =	sld [smem:$0x3FFE];
	_ =	sdelay $0x1  }
0x8a: {  	s1 =	srdreg.scid  }
0x8b: {  	s0 =	sand.u32 $0x1, s1  }
0x8c: {  	s17 =	sshll.u32 s0, $0xA;
	s2 =	sadd.s32 s3, s2  }
0x8d: {  	s2 =	sadd.s32 s2, s17  }
0x8e: {  	[smem:$0x3FC2] =	sst s2  }
0x8f: {  	_ = 	snop  }
0x90: {  	s2 =	sld [smem:$0x3FD0];
	(tm) =	ssettm $0x1  }
0x91: {  	s18 =	sld [smem:$0x3FFB];
	_ =	sdelay $0x3  }
0x92: {  	_ =	strace s18  }
0x93: {  	s3 =	sld [smem:$0x3FFC];
	_ =	sdelay $0x3  }
0x94: {  	_ =	strace s3  }
0x95: {  	s3 =	sld [smem:$0x3FFD];
	_ =	sdelay $0x3  }
0x96: {  	_ =	strace s3  }
0x97: {  	_ =	strace $0x8FFFFFFF  }
0x98: {  	s19 =	sld [smem:$0x3FDB];
	_ =	sdelay $0x1  }
0x99: {  	s4 =	simm.s32 $_scs_section_size  }
0x9a: {  	s5 =	simm.s32 $_size__tile_overlayer_lowered;
	s6 =	simm.s32 $_tile_overlayer_lowered  }
0x9b: {  	s22 =	simm.s32 $0x1BFF;
	s21 =	sshll.u32 s6, $0x1;
	s3 =	sadd.s32 s4, s19  }
0x9c: {  	s7 =	simm.s32 $0x0;
	s20 =	sshll.u32 s5, $0x1;
	s5 =	sadd.s32 s21, s3  }
0x9d: {  	[timem:s7], [sflag:s22] =	dma.local [hbm:s5], s20  }
0x9e: {  	_ =	swait.ge [sflag:s22], s20  }
0x9f: {  	s4 =	ssub.s32 $0x0, s20;
	[sflag:s22] =	ssyncset.done $0x0  }
0xa0: {  	[sflag:s22] =	ssyncadd.s32 s4;
	_ =	sdelay $0x1  }
0xa1: {  	s23 =	simm.s32 $0x1B8B  }
0xa2: {  	_ =	swait.ge [sflag:s23], $0x1  }
0xa3: {  	[sflag:s23] =	ssyncset.done $0x0  }
0xa4: {  	s25 =	simm.s32 $0x1B8E;
	s24 =	sld [smem:$0x3FFE];
	[sflag:s23] =	ssyncadd.s32 $0xFFFFFFFF  }
0xa5: {  	s26 =	simm.s32 $execute0_lowered;
	[smem:$0x3FD2] =	sst s25  }
0xa6: {  	s5 =	sshll.u32 s26, $0x1;
	_ =	strace $0x8000004C;
	[dreg:$0x1] =	wrdreg $0xFFFFFFFF  }
0xa7: {  	s28 =	simm.s32 $_size_execute0_lowered;
	s3 =	sadd.s32 s3, s5;
	[dreg:$0x0] =	wrdreg $0x0  }
0xa8: {  	s5 =	sshll.u32 s28, $0x1;
	[dreg:$0x2] =	wrdreg s3  }
0xa9: {  	[dreg:$0x3] =	wrdreg s5  }
0xaa: {  	[dreg:$0x4] =	wrdreg $0xC0  }
0xab: {  	_ =	task [dreg:s7], $0x5FFFF  }
0xac: {  	[dreg:$0x1] =	wrdreg $0xFFFFFFFF  }
0xad: {  	[dreg:$0x0] =	wrdreg $0x60  }
0xae: {  	[dreg:$0x2] =	wrdreg s24  }
0xaf: {  	[dreg:$0x3] =	wrdreg s2  }
0xb0: {  	[dreg:$0x4] =	wrdreg $0x190000  }
0xb1: {  	[dreg:$0x5] =	wrdreg $0x1B7800  }
0xb2: {  	[dreg:$0x6] =	wrdreg $0x9  }
0xb3: {  	_ =	task.clear_ibuf [dreg:s7], $0x7FFFF;
	_ =	strace $0x9000004C  }
0xb4: {  	s29 =	simm.s32 $0x9;
	_ =	strace $0x8000004E  }
0xb5: {  	_ =	swait.ge [sflag:s29], $0x1  }
0xb6: {  	[sflag:s29] =	ssyncadd.s32 $0xFFFFFFFF  }
0xb7: {  	_ =	strace $0x9000004E  }
0xb8: {  	_ =	sfence  }
0xb9: {  	s30 =	sld [smem:$0x0];
	_ =	sdelay $0x2  }
0xba: {  	s31 =	sshll.u32 s1, $0xD;
	s1 =	sshrl.u32 s1, $0x2  }
0xbb: {  	s3 =	sand.u32 $0x4000, s31;
	s1 =	sadd.s32 s1, s30  }
0xbc: {  	s0 =	sor.u32 s3, s0;
	s1 =	sshll.u32 s1, $0x11  }
0xbd: {  	s0 =	sor.u32 s1, s0  }
0xbe: {  	s0 =	sadd.s32 $0x8F2B, s0  }
0xbf: {  	[sflag:s0] =	ssyncadd.remote.s32 $0x1  }
0xc0: {  	_ =	sfence.sel $0xFFFF  }
0xc1: {  	[dreg:$0x0] =	wrdreg $0xFFFFFFFF;
	(pc) =	sbr.abs _section_cstart, $3  }
0xc2: {  	[dreg:$0x1] =	wrdreg $0xFFFFFFFF  }
0xc3: {  	_ =	task.clear_ibuf [dreg:s7], $0x2FFFF;
	_ =	strace $0x9FFFFFFF  }
0xc4: {  	(tm) =	ssettm $0x7FFFFFFF  }
0xc5: {  	_ =	shalt  }
tec
execute0_lowered:
.L_overlay_start_1:
0x0: {  	(tag) =	ssettag $0x1  }
0x1: {  	s24 =	rddreg [dreg:$0x0]  }
0x2: {  	s9 =	rddreg [dreg:$0x1]  }
0x3: {  	s2 =	rddreg [dreg:$0x2]  }
0x4: {  	s3 =	rddreg [dreg:$0x3]  }
0x5: {  	s1 =	stileid.u32;
	s0 =	rddreg [dreg:$0x4]  }
0x6: {  	s4 =	simm.s32 $0x0;
	s5 =	srdreg.scid;
	s10 =	smul.u32 $0x2780, s1  }
0x7: {  	[smem:$0x7FF] =	sst s4;
	s25 =	sand.u32 $0x1, s5;
	s12 =	sshll.u32 s1, $0x1  }
0x8: {  	s30 =	sshll.u32 s1, $0x6;
	s11 =	sshrl.u32 s10, $0x3;
	s7 =	sadd.s32 s10, s2  }
0x9: {  	_ =	strace $0x8000004D;
	s6 =	sadd.s32 s11, s24;
	s8 =	sshrl.u32 s7, $0x3  }
0xa: {  	s7 =	simm.s32 $0x3;
	s5 =	sadd.s32 $0x15800, s6;
	s6 =	sor.u32 $0x1C03, s30  }
0xb: {  	[spmem:s8], [sflag:s6] =	dma.local [hbm:s5], $0x4F0  }
0xc: {  	s12 =	sor.u32 s25, s12;
	_ =	swait.ge [sflag:s7], $0x4F0  }
0xd: {  	s12 =	smul.u32 $0x500, s12;
	s10 =	sadd.s32 s10, s3;
	[sflag:s7] =	ssyncset.done $0x0  }
0xe: {  	s9 =	sadd.s32 s9, s11;
	s10 =	sshrl.u32 s10, $0x3;
	[sflag:s7] =	ssyncadd.s32 $0xFFFFFB10  }
0xf: {  	[spmem:s10], [sflag:s6] =	dma.local [hbm:s9], $0x4F0  }
0x10: {  	_ =	swait.ge [sflag:s7], $0x4F0  }
0x11: {  	s12 =	sadd.s32 s12, s24;
	[sflag:s7] =	ssyncset.done $0x0  }
0x12: {  	s11 =	sadd.s32 $0xB800, s12;
	[sflag:s7] =	ssyncadd.s32 $0xFFFFFB10  }
0x13: {  	[tilespmem:s4], [sflag:$0x3] =	stream.linear.gather [hbm4b:s11+s4], $0x2800, $0x38;
	[tilespmem:$0x1DF00] =	vst v63  }
0x14: {  	_ =	swait.ge [sflag:s7], $0x2800  }
0x15: {  	[sflag:s7] =	ssyncset.done $0x0  }
0x16: {  	s13 =	simm.s32 $0x2800;
	s12 =	sadd.s32 $0x1800, s12;
	[sflag:s7] =	ssyncadd.s32 $0xFFFFD800  }
0x17: {  	[tilespmem:s13], [sflag:$0x3] =	stream.linear.gather [hbm4b:s12+s4], $0x2800, $0x38;
	[tilespmem:$0x1DF00] =	vst v63  }
0x18: {  	_ =	swait.ge [sflag:s7], $0x2800  }
0x19: {  	[sflag:s7] =	ssyncset.done $0x0  }
0x1a: {  	[sflag:s7] =	ssyncadd.s32 $0xFFFFD800  }
0x1b: {  	s14 =	simm.s32 $0xA00;
	s15 =	simm.s32 $0x5000;
	[bflag:$0x0] =	sbarrier.arrive $0xFFFF  }
0x1c: {  	[tilespmem:s15], [sflag:$0x1] =	stream.indirect.gather [spmem:s2], $0x10, s4, s14, $0xb8;
	[tilespmem:$0x1DF00] =	vst v63  }
0x1d: {  	s16 =	simm.s32 $0xF000;
	s17 =	simm.s32 $0x1  }
0x1e: {  	[tilespmem:s16], [sflag:$0x2] =	stream.indirect.gather [spmem:s2], $0x10, s14, s14, $0xb8;
	[tilespmem:$0x1DF00] =	vst v63  }
0x1f: {  	_ =	swait.ge [sflag:s17], $0xA000  }
0x20: {  	[sflag:s17] =	ssyncset.done $0x0  }
0x21: {  	[sflag:s17] =	ssyncadd.s32 $0xFFFF6000  }
0x22: {  	[spmem:s3] =	stream.indirect.scatter.add.f32 [tilespmem:s15], [sflag:$0x3], $0x10, s13, s14, $0xb8;
	[tilespmem:$0x1DF00] =	vst v63  }
0x23: {  	_ =	swait.ge [sflag:s7], $0xA000  }
0x24: {  	[sflag:s7] =	ssyncset.done $0x0  }
0x25: {  	s18 =	simm.s32 $0x2;
	[sflag:s7] =	ssyncadd.s32 $0xFFFF6000  }
0x26: {  	_ =	swait.ge [sflag:s18], $0xA000  }
0x27: {  	[sflag:s18] =	ssyncset.done $0x0  }
0x28: {  	s19 =	simm.s32 $0x3200;
	[sflag:s18] =	ssyncadd.s32 $0xFFFF6000  }
0x29: {  	[spmem:s3] =	stream.indirect.scatter.add.f32 [tilespmem:s16], [sflag:$0x3], $0x10, s19, s14, $0xb8;
	[tilespmem:$0x1DF00] =	vst v63  }
0x2a: {  	_ =	swait.ge [sflag:s7], $0xA000  }
0x2b: {  	[sflag:s7] =	ssyncset.done $0x0  }
0x2c: {  	s20 =	simm.s32 $0x1400;
	[sflag:s7] =	ssyncadd.s32 $0xFFFF6000  }
0x2d: {  	[tilespmem:s15], [sflag:$0x1] =	stream.indirect.gather [spmem:s2], $0x10, s20, s14, $0xb8;
	[tilespmem:$0x1DF00] =	vst v63  }
0x2e: {  	s21 =	simm.s32 $0x1E00  }
0x2f: {  	[tilespmem:s16], [sflag:$0x2] =	stream.indirect.gather [spmem:s2], $0x10, s21, s14, $0xb8;
	[tilespmem:$0x1DF00] =	vst v63  }
0x30: {  	_ =	swait.ge [sflag:s17], $0xA000  }
0x31: {  	[sflag:s17] =	ssyncset.done $0x0  }
0x32: {  	s22 =	simm.s32 $0x3C00;
	[sflag:s17] =	ssyncadd.s32 $0xFFFF6000  }
0x33: {  	[spmem:s3] =	stream.indirect.scatter.add.f32 [tilespmem:s15], [sflag:$0x3], $0x10, s22, s14, $0xb8;
	[tilespmem:$0x1DF00] =	vst v63  }
0x34: {  	_ =	swait.ge [sflag:s7], $0xA000  }
0x35: {  	[sflag:s7] =	ssyncset.done $0x0  }
0x36: {  	[sflag:s7] =	ssyncadd.s32 $0xFFFF6000  }
0x37: {  	s28 =	smul.u32 $0x4F00, s25;
	s25 =	ssub.s32 $0x2, s25;
	_ =	swait.ge [sflag:s18], $0xA000  }
0x38: {  	s23 =	simm.s32 $0x4600;
	s31 =	sshrl.u32 s25, $0x1;
	[sflag:s18] =	ssyncset.done $0x0  }
0x39: {  	s26 =	smul.u32 $0x4F0, s1;
	s25 =	ssub.s32 s25, s31;
	[sflag:s18] =	ssyncadd.s32 $0xFFFF6000  }
0x3a: {  	[spmem:s3] =	stream.indirect.scatter.add.f32 [tilespmem:s16], [sflag:$0x3], $0x10, s23, s14, $0xb8;
	[tilespmem:$0x1DF00] =	vst v63  }
0x3b: {  	s25 =	smax.u32 s25, $0x1;
	_ =	swait.ge [sflag:s7], $0xA000  }
0x3c: {  	s26 =	sadd.s32 s26, s28;
	p0 =	sne.s32 s25, $0x1;
	[sflag:s7] =	ssyncset.done $0x0  }
.Ltmp0:
0x3d: {  	s24 =	sadd.s32 s26, s24;
	[sflag:s7] =	ssyncadd.s32 $0xFFFF6000;
	(pc) =	sbr.rel @!p0 .LBB2_2-.Ltmp0, $4  }
0x3e: {  	s24 =	sadd.s32 $0x1A800, s24;
	[bflag:$0x0] =	sbarrier.arrive $0xFFFF  }
0x3f: {  	[hbm:s24], [sflag:s6] =	dma.local [spmem:s10], $0x4F0  }
0x40: {  	_ =	swait.ge [sflag:s7], $0x4F0  }
0x41: {  	s25 =	sadd.s32 $0xFFFFFFFF, s25;
	[sflag:s7] =	ssyncset.done $0x0  }
.LBB2_1:
0x42: {  	p0 =	sne.s32 s25, $0x1;
	s25 =	sadd.s32 $0xFFFFFFFF, s25;
	[sflag:s7] =	ssyncadd.s32 $0xFFFFFB10  }
0x43: {  	[spmem:s8], [sflag:s6] =	dma.local [hbm:s5], $0x4F0  }
0x44: {  	_ =	swait.ge [sflag:s7], $0x4F0  }
0x45: {  	[sflag:s7] =	ssyncset.done $0x0  }
0x46: {  	[sflag:s7] =	ssyncadd.s32 $0xFFFFFB10  }
0x47: {  	[spmem:s10], [sflag:s6] =	dma.local [hbm:s9], $0x4F0  }
0x48: {  	_ =	swait.ge [sflag:s7], $0x4F0  }
0x49: {  	[sflag:s7] =	ssyncset.done $0x0  }
0x4a: {  	[sflag:s7] =	ssyncadd.s32 $0xFFFFFB10  }
0x4b: {  	[tilespmem:s4], [sflag:$0x3] =	stream.linear.gather [hbm4b:s11+s4], $0x2800, $0x38;
	[tilespmem:$0x1DF00] =	vst v63  }
0x4c: {  	_ =	swait.ge [sflag:s7], $0x2800  }
0x4d: {  	[sflag:s7] =	ssyncset.done $0x0  }
0x4e: {  	[sflag:s7] =	ssyncadd.s32 $0xFFFFD800  }
0x4f: {  	[tilespmem:s13], [sflag:$0x3] =	stream.linear.gather [hbm4b:s12+s4], $0x2800, $0x38;
	[tilespmem:$0x1DF00] =	vst v63  }
0x50: {  	_ =	swait.ge [sflag:s7], $0x2800  }
0x51: {  	[sflag:s7] =	ssyncset.done $0x0  }
0x52: {  	[sflag:s7] =	ssyncadd.s32 $0xFFFFD800  }
0x53: {  	[bflag:$0x0] =	sbarrier.arrive $0xFFFF  }
0x54: {  	[tilespmem:s15], [sflag:$0x1] =	stream.indirect.gather [spmem:s2], $0x10, s4, s14, $0xb8;
	[tilespmem:$0x1DF00] =	vst v63  }
0x55: {  	_ = 	snop  }
0x56: {  	[tilespmem:s16], [sflag:$0x2] =	stream.indirect.gather [spmem:s2], $0x10, s14, s14, $0xb8;
	[tilespmem:$0x1DF00] =	vst v63  }
0x57: {  	_ =	swait.ge [sflag:s17], $0xA000  }
0x58: {  	[sflag:s17] =	ssyncset.done $0x0  }
0x59: {  	[sflag:s17] =	ssyncadd.s32 $0xFFFF6000  }
0x5a: {  	[spmem:s3] =	stream.indirect.scatter.add.f32 [tilespmem:s15], [sflag:$0x3], $0x10, s13, s14, $0xb8;
	[tilespmem:$0x1DF00] =	vst v63  }
0x5b: {  	_ =	swait.ge [sflag:s7], $0xA000  }
0x5c: {  	[sflag:s7] =	ssyncset.done $0x0  }
0x5d: {  	[sflag:s7] =	ssyncadd.s32 $0xFFFF6000  }
0x5e: {  	_ =	swait.ge [sflag:s18], $0xA000  }
0x5f: {  	[sflag:s18] =	ssyncset.done $0x0  }
0x60: {  	[sflag:s18] =	ssyncadd.s32 $0xFFFF6000  }
0x61: {  	[spmem:s3] =	stream.indirect.scatter.add.f32 [tilespmem:s16], [sflag:$0x3], $0x10, s19, s14, $0xb8;
	[tilespmem:$0x1DF00] =	vst v63  }
0x62: {  	_ =	swait.ge [sflag:s7], $0xA000  }
0x63: {  	[sflag:s7] =	ssyncset.done $0x0  }
0x64: {  	[sflag:s7] =	ssyncadd.s32 $0xFFFF6000  }
0x65: {  	[tilespmem:s15], [sflag:$0x1] =	stream.indirect.gather [spmem:s2], $0x10, s20, s14, $0xb8;
	[tilespmem:$0x1DF00] =	vst v63  }
0x66: {  	_ = 	snop  }
0x67: {  	[tilespmem:s16], [sflag:$0x2] =	stream.indirect.gather [spmem:s2], $0x10, s21, s14, $0xb8;
	[tilespmem:$0x1DF00] =	vst v63  }
0x68: {  	_ =	swait.ge [sflag:s17], $0xA000  }
0x69: {  	[sflag:s17] =	ssyncset.done $0x0  }
0x6a: {  	[sflag:s17] =	ssyncadd.s32 $0xFFFF6000  }
0x6b: {  	[spmem:s3] =	stream.indirect.scatter.add.f32 [tilespmem:s15], [sflag:$0x3], $0x10, s22, s14, $0xb8;
	[tilespmem:$0x1DF00] =	vst v63  }
0x6c: {  	_ =	swait.ge [sflag:s7], $0xA000  }
0x6d: {  	[sflag:s7] =	ssyncset.done $0x0  }
0x6e: {  	[sflag:s7] =	ssyncadd.s32 $0xFFFF6000  }
0x6f: {  	_ =	swait.ge [sflag:s18], $0xA000  }
0x70: {  	[sflag:s18] =	ssyncset.done $0x0  }
0x71: {  	[sflag:s18] =	ssyncadd.s32 $0xFFFF6000  }
0x72: {  	[spmem:s3] =	stream.indirect.scatter.add.f32 [tilespmem:s16], [sflag:$0x3], $0x10, s23, s14, $0xb8;
	[tilespmem:$0x1DF00] =	vst v63  }
0x73: {  	_ =	swait.ge [sflag:s7], $0xA000  }
0x74: {  	[sflag:s7] =	ssyncset.done $0x0  }
.Ltmp1:
0x75: {  	[sflag:s7] =	ssyncadd.s32 $0xFFFF6000;
	(pc) =	sbr.rel @p0 .LBB2_1-.Ltmp1, $4  }
0x76: {  	[bflag:$0x0] =	sbarrier.arrive $0xFFFF  }
0x77: {  	[hbm:s24], [sflag:s6] =	dma.local [spmem:s10], $0x4F0  }
0x78: {  	_ =	swait.ge [sflag:s7], $0x4F0  }
0x79: {  	[sflag:s7] =	ssyncset.done $0x0  }
.LBB2_2:
0x7a: {  	[sflag:s7] =	ssyncadd.s32 $0xFFFFFB10  }
0x7b: {  	_ =	sfence.sel $0x180000  }
0x7c: {  	[bflag:$0x0] =	sbarrier.arrive $0xFFFF  }
0x7d: {  	p0 =	sne.s32 s1, $0x0;
	_ =	strace $0x9000004D  }
0x7e: {  	s0 =	sadd.s32 @!p0 $0x100000, s0;
	[bflag:$0x2] =	sbarrier.arrive $0xFFFF  }
0x7f: {  	[sflag:s0] =	ssyncadd.tile.s32 @!p0 $0x1;
	_ =	shalt  }
.Lfunc_end2:
_tile_overlayer_lowered:
.L_overlay_start_2:
0x80: {  	(tag) =	ssettag $0x2  }
0x81: {  	s0 =	rddreg [dreg:$0x0];
	s2 =	stileid.u32  }
0x82: {  	s1 =	rddreg [dreg:$0x1];
	p0 =	sne.s32 s2, $0x0  }
0x83: {  	s3 =	rddreg [dreg:$0x2];
	[bflag:$0x3] =	sbarrier.arrive $0xFFFF;
	s2 =	simm.s32 @!p0 $0x1C03  }
0x84: {  	[timem:s3], [sflag:s2] =	dma.local @!p0 [hbm:s0], s1  }
0x85: {  	s0 =	simm.s32 @!p0 $0x3  }
0x86: {  	_ =	swait.ge @!p0 [sflag:s0], s1  }
0x87: {  	s1 =	ssub.s32 @!p0 $0x0, s1;
	[sflag:s0] =	ssyncset.done @!p0 $0x0  }
0x88: {  	[sflag:s0] =	ssyncadd.s32 @!p0 s1  }
0x89: {  	[bflag:$0x3] =	sbarrier.arrive $0xFFFF  }
0x8a: {  	_ =	shalt  }

// kernel: kernel.9.cloned.1.call-start
scs
__scs_entry_jumppad:
0x0: {  	(pc) =	sbr.rel $0x88, $3  }
0x1: {  	(tag) =	ssettag $0x0;
	lr =	simm.s32 $0x1  }
0x2: {  	[smem:$0x3F9B] =	sst lr;
	_ =	strace $0xD0000000  }
0x3: {  	_ = 	snop  }
0x4: {  	_ = 	snop  }
0x5: {  	_ = 	snop  }
0x6: {  	_ = 	snop  }
0x7: {  	_ = 	snop  }
__scs_overlays_trampoline_lowered:
0x8: {  	[smem:$0x3FAA] =	sst s0  }
0x9: {  	[smem:$0x3FAB] =	sst s1  }
0xa: {  	[smem:$0x3FAC] =	sst s2  }
0xb: {  	[smem:$0x3FAD] =	sst s3  }
0xc: {  	[smem:$0x3FAE] =	sst s4  }
0xd: {  	[smem:$0x3FAF] =	sst s5  }
0xe: {  	[smem:$0x3FB0] =	sst s6  }
0xf: {  	[smem:$0x3FB1] =	sst s7  }
0x10: {  	[smem:$0x3FB2] =	sst s8  }
0x11: {  	[smem:$0x3FB3] =	sst s9;
	s0 =	simm.s32 @!p0 $0x0  }
0x12: {  	s1 =	sld [smem:$0x3F99];
	s0 =	simm.s32 @p0 $0x1  }
0x13: {  	[smem:$0x3FB4] =	sst s0;
	s0 =	simm.s32 @!p1 $0x0  }
0x14: {  	s2 =	sld [smem:$0x3F98];
	s0 =	simm.s32 @p1 $0x1  }
0x15: {  	[smem:$0x3FB5] =	sst s0;
	s0 =	simm.s32 @!p2 $0x0  }
0x16: {  	s3 =	sld [smem:$0x3FDB];
	s0 =	simm.s32 @p2 $0x1  }
0x17: {  	s4 =	simm.s32 $0x1BF5;
	[smem:$0x3FB7] =	sst s0  }
0x18: {  	s0 =	sld [smem:$0x3F9A];
	_ =	swait.ge [sflag:s4], $0x0  }
0x19: {  	s7 =	sld [smem:$0x3F9B]  }
0x1a: {  	s8 =	sadd.s32 $0xFFFFE003, lr  }
0x1b: {  	s9 =	sadd.s32 $0xFFFFFEF7, lr;
	s5 =	simm.s32 $0xFFFFFFFF;
	p2 =	slt.u32 s8, $0xFFFFF086  }
0x1c: {  	p1 =	slt.u32 s9, $0xF7A;
	s5 =	simm.s32 @!p2 $0x0  }
0x1d: {  	s5 =	simm.s32 @p1 $0x1;
	p0 =	seq.s32 s7, s2  }
0x1e: {  	s7 =	smul.u32 @!p0 $0xF7A, s2;
	p2 =	seq.s32 @!p0 s5, $0x0  }
0x1f: {  	s9 =	smul.u32 $0xF7A, s1;
	s8 =	simm.s32 @!p0 $0x1BF5;
	p2 =	por !p2, p0  }
0x20: {  	[sflag:s8] =	ssyncset.s32 @!p0 $0xFFFFF086;
	s6 =	sadd.s32 @!p0 s3, s7;
	s7 =	simm.s32 @!p0 $0x108  }
0x21: {  	s3 =	sadd.s32 s3, s9;
	s6 =	sadd.s32 @!p0 $0x88, s6;
	s7 =	simm.s32 @p2 $0x1082  }
0x22: {  	[simem:s7], [sflag:s8] =	dma.local @!p0 [hbm:s6], $0xF7A  }
0x23: {  	s9 =	sor.u32 $0xD0000000, s2;
	s6 =	simm.s32 $0x108;
	_ =	swait.ge @!p0 [sflag:s8], $0x0  }
0x24: {  	s3 =	sadd.s32 $0x88, s3;
	s6 =	simm.s32 @!p1 $0x1082;
	[sflag:s4] =	ssyncset.s32 $0xFFFFF086  }
0x25: {  	[simem:s6], [sflag:s4] =	dma.local [hbm:s3], $0xF7A  }
0x26: {  	[smem:$0x3F9B] =	sst s1;
	(tag) =	ssettag s2;
	_ =	strace s9  }
0x27: {  	s1 =	sld [smem:$0x3FAB]  }
0x28: {  	s2 =	sld [smem:$0x3FAC]  }
0x29: {  	s4 =	sld [smem:$0x3FAE]  }
0x2a: {  	p0 =	seq.s32 s5, $0x0;
	s5 =	sld [smem:$0x3FAF]  }
0x2b: {  	s6 =	sld [smem:$0x3FB0]  }
0x2c: {  	s7 =	sld [smem:$0x3FB1]  }
0x2d: {  	s3 =	simm.s32 $0x108;
	s8 =	sld [smem:$0x3FB2]  }
0x2e: {  	s3 =	simm.s32 @!p0 $0x1082;
	s9 =	sld [smem:$0x3FB3]  }
0x2f: {  	lr =	sadd.s32 s0, s3;
	s0 =	sld [smem:$0x3FAA]  }
0x30: {  	s3 =	sld [smem:$0x3FAD]  }
0x31: {  	[smem:$0x3FB6] =	sst s10  }
0x32: {  	s10 =	sld [smem:$0x3FB4];
	_ =	sdelay $0x3  }
0x33: {  	p0 =	seq.s32 s10, $0x1;
	s10 =	sld [smem:$0x3FB6];
	_ =	sdelay $0x3  }
0x34: {  	[smem:$0x3FB6] =	sst s10  }
0x35: {  	s10 =	sld [smem:$0x3FB5];
	_ =	sdelay $0x3  }
0x36: {  	p1 =	seq.s32 s10, $0x1;
	s10 =	sld [smem:$0x3FB6];
	_ =	sdelay $0x3  }
0x37: {  	[smem:$0x3FB6] =	sst s10  }
0x38: {  	s10 =	sld [smem:$0x3FB7]  }
0x39: {  	_ = 	snop;
	(pc) =	sbr.ind lr, $3  }
0x3a: {  	_ = 	snop  }
0x3b: {  	_ = 	snop  }
0x3c: {  	p2 =	seq.s32 s10, $0x1;
	s10 =	sld [smem:$0x3FB6]  }
0x3d: {  	_ =	shalt  }
0x3e: {  	_ =	shalt  }
0x3f: {  	_ =	shalt  }
0x40: {  	_ =	shalt  }
0x41: {  	_ =	shalt  }
0x42: {  	_ =	shalt  }
0x43: {  	_ =	shalt  }
0x44: {  	_ =	shalt  }
0x45: {  	_ =	shalt  }
0x46: {  	_ =	shalt  }
0x47: {  	_ =	shalt  }
0x48: {  	_ =	shalt  }
0x49: {  	_ =	shalt  }
0x4a: {  	_ =	shalt  }
0x4b: {  	_ =	shalt  }
0x4c: {  	_ =	shalt  }
0x4d: {  	_ =	shalt  }
0x4e: {  	_ =	shalt  }
0x4f: {  	_ =	shalt  }
0x50: {  	_ =	shalt  }
0x51: {  	_ =	shalt  }
0x52: {  	_ =	shalt  }
0x53: {  	_ =	shalt  }
0x54: {  	_ =	shalt  }
0x55: {  	_ =	shalt  }
0x56: {  	_ =	shalt  }
0x57: {  	_ =	shalt  }
0x58: {  	_ =	shalt  }
0x59: {  	_ =	shalt  }
0x5a: {  	_ =	shalt  }
0x5b: {  	_ =	shalt  }
0x5c: {  	_ =	shalt  }
0x5d: {  	_ =	shalt  }
0x5e: {  	_ =	shalt  }
0x5f: {  	_ =	shalt  }
0x60: {  	_ =	shalt  }
0x61: {  	_ =	shalt  }
0x62: {  	_ =	shalt  }
0x63: {  	_ =	shalt  }
0x64: {  	_ =	shalt  }
0x65: {  	_ =	shalt  }
0x66: {  	_ =	shalt  }
0x67: {  	_ =	shalt  }
0x68: {  	_ =	shalt  }
0x69: {  	_ =	shalt  }
0x6a: {  	_ =	shalt  }
0x6b: {  	_ =	shalt  }
0x6c: {  	_ =	shalt  }
0x6d: {  	_ =	shalt  }
0x6e: {  	_ =	shalt  }
0x6f: {  	_ =	shalt  }
0x70: {  	_ =	shalt  }
0x71: {  	_ =	shalt  }
0x72: {  	_ =	shalt  }
0x73: {  	_ =	shalt  }
0x74: {  	_ =	shalt  }
0x75: {  	_ =	shalt  }
0x76: {  	_ =	shalt  }
0x77: {  	_ =	shalt  }
0x78: {  	_ =	shalt  }
0x79: {  	_ =	shalt  }
0x7a: {  	_ =	shalt  }
0x7b: {  	_ =	shalt  }
0x7c: {  	_ =	shalt  }
0x7d: {  	_ =	shalt  }
0x7e: {  	_ =	shalt  }
0x7f: {  	_ =	shalt  }
0x80: {  	_ =	shalt  }
0x81: {  	_ =	shalt  }
0x82: {  	_ =	shalt  }
0x83: {  	_ =	shalt  }
0x84: {  	_ =	shalt  }
0x85: {  	_ =	shalt  }
0x86: {  	_ =	shalt  }
0x87: {  	_ =	shalt  }
.Lfunc_end0:
.L_simem_size_0:
called_computation_lowered:
.L_overlay_start_0:
0x88: {  	s2 =	sld [smem:$0x3FD9]  }
0x89: {  	s3 =	sld [smem:$0x3FFE];
	_ =	sdelay $0x1  }
0x8a: {  	s1 =	srdreg.scid  }
0x8b: {  	s0 =	sand.u32 $0x1, s1  }
0x8c: {  	s17 =	sshll.u32 s0, $0xA;
	s2 =	sadd.s32 s3, s2  }
0x8d: {  	s2 =	sadd.s32 s2, s17  }
0x8e: {  	[smem:$0x3FC2] =	sst s2  }
0x8f: {  	_ = 	snop  }
0x90: {  	s2 =	sld [smem:$0x3FD0];
	(tm) =	ssettm $0x1  }
0x91: {  	s18 =	sld [smem:$0x3FFB];
	_ =	sdelay $0x3  }
0x92: {  	_ =	strace s18  }
0x93: {  	s3 =	sld [smem:$0x3FFC];
	_ =	sdelay $0x3  }
0x94: {  	_ =	strace s3  }
0x95: {  	s3 =	sld [smem:$0x3FFD];
	_ =	sdelay $0x3  }
0x96: {  	_ =	strace s3  }
0x97: {  	_ =	strace $0x8FFFFFFF  }
0x98: {  	s19 =	sld [smem:$0x3FDB];
	_ =	sdelay $0x1  }
0x99: {  	s4 =	simm.s32 $_scs_section_size  }
0x9a: {  	s5 =	simm.s32 $_size__tile_overlayer_lowered;
	s6 =	simm.s32 $_tile_overlayer_lowered  }
0x9b: {  	s22 =	simm.s32 $0x1BFF;
	s21 =	sshll.u32 s6, $0x1;
	s3 =	sadd.s32 s4, s19  }
0x9c: {  	s7 =	simm.s32 $0x0;
	s20 =	sshll.u32 s5, $0x1;
	s5 =	sadd.s32 s21, s3  }
0x9d: {  	[timem:s7], [sflag:s22] =	dma.local [hbm:s5], s20  }
0x9e: {  	_ =	swait.ge [sflag:s22], s20  }
0x9f: {  	s4 =	ssub.s32 $0x0, s20;
	[sflag:s22] =	ssyncset.done $0x0  }
0xa0: {  	[sflag:s22] =	ssyncadd.s32 s4;
	_ =	sdelay $0x1  }
0xa1: {  	s23 =	simm.s32 $0x1B8B  }
0xa2: {  	_ =	swait.ge [sflag:s23], $0x1  }
0xa3: {  	[sflag:s23] =	ssyncset.done $0x0  }
0xa4: {  	s25 =	simm.s32 $0x1B8E;
	s24 =	sld [smem:$0x3FFE];
	[sflag:s23] =	ssyncadd.s32 $0xFFFFFFFF  }
0xa5: {  	s26 =	simm.s32 $execute0_lowered;
	[smem:$0x3FD2] =	sst s25  }
0xa6: {  	s5 =	sshll.u32 s26, $0x1;
	_ =	strace $0x80000046;
	[dreg:$0x1] =	wrdreg $0xFFFFFFFF  }
0xa7: {  	s28 =	simm.s32 $_size_execute0_lowered;
	s3 =	sadd.s32 s3, s5;
	[dreg:$0x0] =	wrdreg $0x0  }
0xa8: {  	s5 =	sshll.u32 s28, $0x1;
	[dreg:$0x2] =	wrdreg s3  }
0xa9: {  	[dreg:$0x3] =	wrdreg s5  }
0xaa: {  	[dreg:$0x4] =	wrdreg $0xC0  }
0xab: {  	_ =	task [dreg:s7], $0x5FFFF  }
0xac: {  	[dreg:$0x1] =	wrdreg $0xFFFFFFFF  }
0xad: {  	[dreg:$0x0] =	wrdreg $0x60  }
0xae: {  	[dreg:$0x2] =	wrdreg s24  }
0xaf: {  	[dreg:$0x3] =	wrdreg s2  }
0xb0: {  	[dreg:$0x4] =	wrdreg $0xC8000  }
0xb1: {  	[dreg:$0x5] =	wrdreg $0x9  }
0xb2: {  	_ =	task.clear_ibuf [dreg:s7], $0x6FFFF;
	_ =	strace $0x90000046  }
0xb3: {  	s29 =	simm.s32 $0x9;
	_ =	strace $0x80000048  }
0xb4: {  	_ =	swait.ge [sflag:s29], $0x1  }
0xb5: {  	[sflag:s29] =	ssyncadd.s32 $0xFFFFFFFF  }
0xb6: {  	_ =	strace $0x90000048  }
0xb7: {  	_ =	sfence  }
0xb8: {  	s30 =	sld [smem:$0x0];
	_ =	sdelay $0x2  }
0xb9: {  	s31 =	sshll.u32 s1, $0xD;
	s1 =	sshrl.u32 s1, $0x2  }
0xba: {  	s3 =	sand.u32 $0x4000, s31;
	s1 =	sadd.s32 s1, s30  }
0xbb: {  	s0 =	sor.u32 s3, s0;
	s1 =	sshll.u32 s1, $0x11  }
0xbc: {  	s0 =	sor.u32 s1, s0  }
0xbd: {  	s0 =	sadd.s32 $0x8F2B, s0  }
0xbe: {  	[sflag:s0] =	ssyncadd.remote.s32 $0x1  }
0xbf: {  	_ =	sfence.sel $0xFFFF  }
0xc0: {  	[dreg:$0x0] =	wrdreg $0xFFFFFFFF;
	(pc) =	sbr.abs _section_cstart, $3  }
0xc1: {  	[dreg:$0x1] =	wrdreg $0xFFFFFFFF  }
0xc2: {  	_ =	task.clear_ibuf [dreg:s7], $0x2FFFF;
	_ =	strace $0x9FFFFFFF  }
0xc3: {  	(tm) =	ssettm $0x7FFFFFFF  }
tec
execute0_lowered:
.L_overlay_start_1:
0x0: {  	(tag) =	ssettag $0x1  }
0x1: {  	s14 =	rddreg [dreg:$0x0]  }
0x2: {  	s4 =	rddreg [dreg:$0x1]  }
0x3: {  	s2 =	rddreg [dreg:$0x2]  }
0x4: {  	s0 =	rddreg [dreg:$0x3]  }
0x5: {  	s3 =	simm.s32 $0x0;
	s1 =	stileid.u32;
	s6 =	srdreg.scid  }
0x6: {  	[smem:$0x7FF] =	sst s3;
	s5 =	smul.u32 $0x2780, s1  }
0x7: {  	s15 =	sand.u32 $0x1, s6;
	s30 =	sshll.u32 s1, $0x6;
	s6 =	simm.s32 $0x1  }
0x8: {  	_ =	strace $0x80000047;
	s29 =	sshrl.u32 s5, $0x3;
	s7 =	sadd.s32 s5, s2  }
0x9: {  	s5 =	sor.u32 $0x1C01, s30;
	s4 =	sadd.s32 s4, s29;
	s7 =	sshrl.u32 s7, $0x3  }
0xa: {  	[spmem:s7], [sflag:s5] =	dma.local [hbm:s4], $0x4F0  }
0xb: {  	s8 =	sshll.u32 s1, $0x1;
	_ =	swait.ge [sflag:s6], $0x4F0  }
0xc: {  	s9 =	simm.s32 $0x2800;
	s8 =	sor.u32 s15, s8;
	[sflag:s6] =	ssyncset.done $0x0  }
0xd: {  	s10 =	smul.u32 $0x500, s8;
	s8 =	sadd.s32 $0x15800, s14;
	[sflag:s6] =	ssyncadd.s32 $0xFFFFFB10  }
0xe: {  	[tilespmem:s9], [sflag:$0x1] =	stream.linear.gather [hbm4b:s8+s3], $0xA000, $0x38;
	[tilespmem:$0xEF80] =	vst v63  }
0xf: {  	_ =	swait.ge [sflag:s6], $0xA000  }
0x10: {  	s10 =	sadd.s32 s10, s14;
	[sflag:s6] =	ssyncset.done $0x0  }
0x11: {  	s10 =	sadd.s32 $0x1800, s10;
	[sflag:s6] =	ssyncadd.s32 $0xFFFF6000  }
0x12: {  	[tilespmem:s3], [sflag:$0x1] =	stream.linear.gather [hbm4b:s10+s3], $0x2800, $0x38;
	[tilespmem:$0xEF80] =	vst v63  }
0x13: {  	_ =	swait.ge [sflag:s6], $0x2800  }
0x14: {  	[sflag:s6] =	ssyncset.done $0x0  }
0x15: {  	[sflag:s6] =	ssyncadd.s32 $0xFFFFD800  }
0x16: {  	s11 =	simm.s32 $0xA00;
	[bflag:$0x0] =	sbarrier.arrive $0xFFFF  }
0x17: {  	[spmem:s2] =	stream.indirect.scatter.add.f32 [tilespmem:s9], [sflag:$0x1], $0x10, s3, s11, $0xb8;
	[tilespmem:$0xEF80] =	vst v63  }
0x18: {  	_ =	swait.ge [sflag:s6], $0xA000  }
0x19: {  	[sflag:s6] =	ssyncset.done $0x0  }
0x1a: {  	[sflag:s6] =	ssyncadd.s32 $0xFFFF6000  }
0x1b: {  	[spmem:s2] =	stream.indirect.scatter.add.f32 [tilespmem:s9], [sflag:$0x1], $0x10, s11, s11, $0xb8;
	[tilespmem:$0xEF80] =	vst v63  }
0x1c: {  	_ =	swait.ge [sflag:s6], $0xA000  }
0x1d: {  	[sflag:s6] =	ssyncset.done $0x0  }
0x1e: {  	s12 =	simm.s32 $0x1400;
	[sflag:s6] =	ssyncadd.s32 $0xFFFF6000  }
0x1f: {  	[spmem:s2] =	stream.indirect.scatter.add.f32 [tilespmem:s9], [sflag:$0x1], $0x10, s12, s11, $0xb8;
	[tilespmem:$0xEF80] =	vst v63  }
0x20: {  	s17 =	smul.u32 $0x4F00, s15;
	s15 =	ssub.s32 $0x2, s15;
	_ =	swait.ge [sflag:s6], $0xA000  }
0x21: {  	s13 =	simm.s32 $0x1E00;
	s31 =	sshrl.u32 s15, $0x1;
	[sflag:s6] =	ssyncset.done $0x0  }
0x22: {  	s16 =	smul.u32 $0x4F0, s1;
	s15 =	ssub.s32 s15, s31;
	[sflag:s6] =	ssyncadd.s32 $0xFFFF6000  }
0x23: {  	[spmem:s2] =	stream.indirect.scatter.add.f32 [tilespmem:s9], [sflag:$0x1], $0x10, s13, s11, $0xb8;
	[tilespmem:$0xEF80] =	vst v63  }
0x24: {  	s15 =	smax.u32 s15, $0x1;
	_ =	swait.ge [sflag:s6], $0xA000  }
0x25: {  	s16 =	sadd.s32 s16, s17;
	p0 =	sne.s32 s15, $0x1;
	[sflag:s6] =	ssyncset.done $0x0  }
.Ltmp0:
0x26: {  	s14 =	sadd.s32 s16, s14;
	[sflag:s6] =	ssyncadd.s32 $0xFFFF6000;
	(pc) =	sbr.rel @!p0 .LBB2_2-.Ltmp0, $4  }
0x27: {  	s14 =	sadd.s32 $0x16C00, s14;
	[bflag:$0x0] =	sbarrier.arrive $0xFFFF  }
0x28: {  	[hbm:s14], [sflag:s5] =	dma.local [spmem:s7], $0x4F0  }
0x29: {  	_ =	swait.ge [sflag:s6], $0x4F0  }
0x2a: {  	s15 =	sadd.s32 $0xFFFFFFFF, s15;
	[sflag:s6] =	ssyncset.done $0x0  }
.LBB2_1:
0x2b: {  	p0 =	sne.s32 s15, $0x1;
	s15 =	sadd.s32 $0xFFFFFFFF, s15;
	[sflag:s6] =	ssyncadd.s32 $0xFFFFFB10  }
0x2c: {  	[spmem:s7], [sflag:s5] =	dma.local [hbm:s4], $0x4F0  }
0x2d: {  	_ =	swait.ge [sflag:s6], $0x4F0  }
0x2e: {  	[sflag:s6] =	ssyncset.done $0x0  }
0x2f: {  	[sflag:s6] =	ssyncadd.s32 $0xFFFFFB10  }
0x30: {  	[tilespmem:s9], [sflag:$0x1] =	stream.linear.gather [hbm4b:s8+s3], $0xA000, $0x38;
	[tilespmem:$0xEF80] =	vst v63  }
0x31: {  	_ =	swait.ge [sflag:s6], $0xA000  }
0x32: {  	[sflag:s6] =	ssyncset.done $0x0  }
0x33: {  	[sflag:s6] =	ssyncadd.s32 $0xFFFF6000  }
0x34: {  	[tilespmem:s3], [sflag:$0x1] =	stream.linear.gather [hbm4b:s10+s3], $0x2800, $0x38;
	[tilespmem:$0xEF80] =	vst v63  }
0x35: {  	_ =	swait.ge [sflag:s6], $0x2800  }
0x36: {  	[sflag:s6] =	ssyncset.done $0x0  }
0x37: {  	[sflag:s6] =	ssyncadd.s32 $0xFFFFD800  }
0x38: {  	[bflag:$0x0] =	sbarrier.arrive $0xFFFF  }
0x39: {  	[spmem:s2] =	stream.indirect.scatter.add.f32 [tilespmem:s9], [sflag:$0x1], $0x10, s3, s11, $0xb8;
	[tilespmem:$0xEF80] =	vst v63  }
0x3a: {  	_ =	swait.ge [sflag:s6], $0xA000  }
0x3b: {  	[sflag:s6] =	ssyncset.done $0x0  }
0x3c: {  	[sflag:s6] =	ssyncadd.s32 $0xFFFF6000  }
0x3d: {  	[spmem:s2] =	stream.indirect.scatter.add.f32 [tilespmem:s9], [sflag:$0x1], $0x10, s11, s11, $0xb8;
	[tilespmem:$0xEF80] =	vst v63  }
0x3e: {  	_ =	swait.ge [sflag:s6], $0xA000  }
0x3f: {  	[sflag:s6] =	ssyncset.done $0x0  }
0x40: {  	[sflag:s6] =	ssyncadd.s32 $0xFFFF6000  }
0x41: {  	[spmem:s2] =	stream.indirect.scatter.add.f32 [tilespmem:s9], [sflag:$0x1], $0x10, s12, s11, $0xb8;
	[tilespmem:$0xEF80] =	vst v63  }
0x42: {  	_ =	swait.ge [sflag:s6], $0xA000  }
0x43: {  	[sflag:s6] =	ssyncset.done $0x0  }
0x44: {  	[sflag:s6] =	ssyncadd.s32 $0xFFFF6000  }
0x45: {  	[spmem:s2] =	stream.indirect.scatter.add.f32 [tilespmem:s9], [sflag:$0x1], $0x10, s13, s11, $0xb8;
	[tilespmem:$0xEF80] =	vst v63  }
0x46: {  	_ =	swait.ge [sflag:s6], $0xA000  }
0x47: {  	[sflag:s6] =	ssyncset.done $0x0  }
.Ltmp1:
0x48: {  	[sflag:s6] =	ssyncadd.s32 $0xFFFF6000;
	(pc) =	sbr.rel @p0 .LBB2_1-.Ltmp1, $4  }
0x49: {  	[bflag:$0x0] =	sbarrier.arrive $0xFFFF  }
0x4a: {  	[hbm:s14], [sflag:s5] =	dma.local [spmem:s7], $0x4F0  }
0x4b: {  	_ =	swait.ge [sflag:s6], $0x4F0  }
0x4c: {  	[sflag:s6] =	ssyncset.done $0x0  }
.LBB2_2:
0x4d: {  	[sflag:s6] =	ssyncadd.s32 $0xFFFFFB10  }
0x4e: {  	_ =	sfence.sel $0x180000  }
0x4f: {  	[bflag:$0x0] =	sbarrier.arrive $0xFFFF  }
0x50: {  	p0 =	sne.s32 s1, $0x0;
	_ =	strace $0x90000047  }
0x51: {  	s0 =	sadd.s32 @!p0 $0x100000, s0;
	[bflag:$0x2] =	sbarrier.arrive $0xFFFF  }
0x52: {  	[sflag:s0] =	ssyncadd.tile.s32 @!p0 $0x1;
	_ =	shalt  }
.Lfunc_end2:
_tile_overlayer_lowered:
.L_overlay_start_2:
0x53: {  	(tag) =	ssettag $0x2  }
0x54: {  	s0 =	rddreg [dreg:$0x0];
	s2 =	stileid.u32  }
0x55: {  	s1 =	rddreg [dreg:$0x1];
	p0 =	sne.s32 s2, $0x0  }
0x56: {  	s3 =	rddreg [dreg:$0x2];
	[bflag:$0x3] =	sbarrier.arrive $0xFFFF;
	s2 =	simm.s32 @!p0 $0x1C01  }
0x57: {  	[timem:s3], [sflag:s2] =	dma.local @!p0 [hbm:s0], s1  }
0x58: {  	s0 =	simm.s32 @!p0 $0x1  }
0x59: {  	_ =	swait.ge @!p0 [sflag:s0], s1  }
0x5a: {  	s1 =	ssub.s32 @!p0 $0x0, s1;
	[sflag:s0] =	ssyncset.done @!p0 $0x0  }
0x5b: {  	[sflag:s0] =	ssyncadd.s32 @!p0 s1  }
0x5c: {  	[bflag:$0x3] =	sbarrier.arrive $0xFFFF  }
0x5d: {  	_ =	shalt  }

</sc_bundles>
